<compile_context>
chip_gen: v7x
topology: tpu7x:2x2x1
jax: 0.10.2.dev20260603
libtpu: 0.0.44.dev20260713+nightly
codegen_flags: <defaults>
</compile_context>

<pallas_src>
import functools

import numpy as np
import jax
import jax.numpy as jnp
from jax import lax
from jax.experimental import pallas as pl
from jax.experimental.pallas import tpu as pltpu
from jax.experimental.pallas import tpu_sc as plsc

_VOCAB, _EMBED, _B, _S = 100000, 128, 1024, 200
_NC, _NS, _L = 2, 16, 16
_NW = _NC * _NS
_N = _B * _S
_RPW = _N // _NW
_CH = 128
_NCH = _RPW // _CH


def _pe_table():
    position = np.arange(_S, dtype=np.float32)[:, None]
    div_term = np.exp(
        np.arange(0, _EMBED, 2, dtype=np.float32) * (-np.log(10000.0) / _EMBED))
    pe = np.zeros((_S, _EMBED), dtype=np.float32)
    pe[:, 0::2] = np.sin(position * div_term)
    pe[:, 1::2] = np.cos(position * div_term)
    return pe


_PE = _pe_table()


def _comb_body(pe_ref, seg_ref, out_ref):
    out_ref[...] = seg_ref[...][:, None, :] + pe_ref[...][None, :, :]


def _build_comb(seg_table):
    out = pl.pallas_call(
        _comb_body,
        out_shape=jax.ShapeDtypeStruct((3, _S, _EMBED), jnp.float32),
    )(jnp.asarray(_PE), seg_table)
    return out.reshape(3 * _S, _EMBED)


_mesh = plsc.VectorSubcoreMesh(core_axis_name="c", subcore_axis_name="s")


@functools.partial(
    pl.kernel,
    out_type=jax.ShapeDtypeStruct((_N, _EMBED), jnp.float32),
    mesh=_mesh,
    scratch_types=[
        pltpu.VMEM((_RPW,), jnp.int32),
        pltpu.VMEM((_RPW,), jnp.int32),
        pltpu.VMEM((2, _CH, _EMBED), jnp.float32),
        pltpu.VMEM((2, _CH, _EMBED), jnp.float32),
        pltpu.SemaphoreType.DMA,
        pltpu.SemaphoreType.DMA,
        pltpu.SemaphoreType.DMA,
        pltpu.SemaphoreType.DMA,
    ],
)
def _emb(seq_hbm, seg_hbm, tok_hbm, comb_hbm, out_hbm,
         idx_v, ci_v, tok_b, comb_b, gsem0, gsem1, osem0, osem1):
    wid = lax.axis_index("s") * _NC + lax.axis_index("c")
    base = wid * _RPW
    pltpu.sync_copy(seq_hbm.at[pl.ds(base, _RPW)], idx_v)
    pltpu.sync_copy(seg_hbm.at[pl.ds(base, _RPW)], ci_v)

    gsem = (gsem0, gsem1)
    osem = (osem0, osem1)
    lane = lax.iota(jnp.int32, _L)

    @pl.loop(0, _RPW // _L)
    def _ci(i):
        off = pl.ds(i * _L, _L)
        pos = (lane + i * _L) % _S
        ci_v[off] = ci_v[off] * _S + pos

    def issue_gathers(k, b):
        rb = pl.multiple_of(k * _CH, _CH)
        pltpu.async_copy(tok_hbm.at[idx_v.at[pl.ds(rb, _CH)]], tok_b.at[b], gsem[b])
        pltpu.async_copy(comb_hbm.at[ci_v.at[pl.ds(rb, _CH)]], comb_b.at[b], gsem[b])

    def wait_gathers(k, b):
        rb = pl.multiple_of(k * _CH, _CH)
        pltpu.make_async_copy(tok_hbm.at[idx_v.at[pl.ds(rb, _CH)]], tok_b.at[b], gsem[b]).wait()
        pltpu.make_async_copy(comb_hbm.at[ci_v.at[pl.ds(rb, _CH)]], comb_b.at[b], gsem[b]).wait()

    def wait_out(b):
        pltpu.make_async_copy(tok_b.at[b], out_hbm.at[pl.ds(0, _CH)], osem[b]).wait()

    issue_gathers(0, 0)

    @pl.loop(0, _NCH // 2)
    def _pair(k2):
        for b in range(2):
            k = k2 * 2 + b

            @pl.when(k >= 1)
            def _():
                wait_out(1 - b)

            @pl.when(k + 1 < _NCH)
            def _():
                issue_gathers(k + 1, 1 - b)

            wait_gathers(k, b)

            @pl.loop(0, _CH)
            def _row(r):
                for c in range(_EMBED // _L):
                    sl = pl.ds(c * _L, _L)
                    tok_b[b, r, sl] = tok_b[b, r, sl] + comb_b[b, r, sl]

            rb = pl.multiple_of(k * _CH, _CH)
            pltpu.async_copy(tok_b.at[b], out_hbm.at[pl.ds(base + rb, _CH)], osem[b])

    wait_out((_NCH - 1) % 2)


def kernel(sequence, segment_label, token_table, seg_table):
    comb = _build_comb(seg_table)
    seq = sequence.reshape(-1).astype(jnp.int32)
    seg = segment_label.reshape(-1).astype(jnp.int32)
    out = _emb(seq, seg, token_table, comb)
    return out.reshape(_B, _S, _EMBED)

# --- scband reference (transcript-rebuilt; emitter-appended) ---
"""Pipeline reference for scband-bertembedding-7911329759723 (READ-ONLY COPY).

The authoritative reference and input builder live on the scoring server;
editing this copy changes nothing except your own understanding.
"""

import jax, jax.numpy as jnp
import numpy as np

VOCAB = 100000
EMBED = 128
B = 1024
S = 200


def _positional_encoding(seq_len, d_model):
    # Standard BERT sinusoidal positional encoding (fixed buffer, not learned)
    position = np.arange(seq_len, dtype=np.float32)[:, None]
    div_term = np.exp(np.arange(0, d_model, 2, dtype=np.float32) * (-np.log(10000.0) / d_model))
    pe = np.zeros((seq_len, d_model), dtype=np.float32)
    pe[:, 0::2] = np.sin(position * div_term)
    pe[:, 1::2] = np.cos(position * div_term)
    return jnp.asarray(pe)


def setup_inputs(seed: int = 0) -> dict:
    key = jax.random.key(seed)
    k1, k2, k3, k4 = jax.random.split(key, 4)
    sequence = jax.random.randint(k1, (B, S), 0, VOCAB, dtype=jnp.int64 if jax.config.jax_enable_x64 else jnp.int32)
    segment_label = jax.random.randint(k2, (B, S), 0, 3, dtype=jnp.int64 if jax.config.jax_enable_x64 else jnp.int32)
    token_table = jax.random.normal(k3, (VOCAB, EMBED), dtype=jnp.float32) * 0.02
    token_table = token_table.at[0].set(0.0)  # padding_idx=0 (nn.Embedding default in TokenEmbedding)
    seg_table = jax.random.normal(k4, (3, EMBED), dtype=jnp.float32) * 0.02
    seg_table = seg_table.at[0].set(0.0)  # padding_idx=0 in SegmentEmbedding
    return {"sequence": sequence, "segment_label": segment_label, "token_table": token_table, "seg_table": seg_table}


def reference(sequence, segment_label, token_table, seg_table):
    # TokenEmbedding lookup (gather)
    tok = jnp.take(token_table, sequence, axis=0)              # [B, S, E]
    # PositionalEmbedding: fixed sin/cos buffer, broadcast over batch
    pe = _positional_encoding(sequence.shape[1], token_table.shape[1])  # [S, E]
    # SegmentEmbedding lookup (gather)
    seg = jnp.take(seg_table, segment_label, axis=0)           # [B, S, E]
    x = tok + pe[None, :, :] + seg
    # Dropout in eval mode is identity
    return x

if __name__ == "__main__":
    import jax
    _d = setup_inputs()
    print(jax.jit(kernel)(*tuple(_d.values())))

</pallas_src>

<mosaic_0001>
#map = affine_map<(d0, d1) -> (0)>
#map1 = affine_map<(d0, d1) -> (0, 0)>
module attributes {stable_mosaic.version = 14 : i64} {
  func.func @_emb(%arg0: i32, %arg1: i32, %arg2: memref<204800xi32, #tpu.memory_space<hbm>>, %arg3: memref<204800xi32, #tpu.memory_space<hbm>>, %arg4: memref<100000x128xf32, #tpu.memory_space<hbm>>, %arg5: memref<600x128xf32, #tpu.memory_space<hbm>>, %arg6: memref<204800x128xf32, #tpu.memory_space<hbm>>, %arg7: memref<6400xi32, #tpu.memory_space<vmem>>, %arg8: memref<6400xi32, #tpu.memory_space<vmem>>, %arg9: memref<2x128x128xf32, #tpu.memory_space<vmem>>, %arg10: memref<2x128x128xf32, #tpu.memory_space<vmem>>, %arg11: memref<!tpu.dma_semaphore, #tpu.memory_space<semaphore_mem>>, %arg12: memref<!tpu.dma_semaphore, #tpu.memory_space<semaphore_mem>>, %arg13: memref<!tpu.dma_semaphore, #tpu.memory_space<semaphore_mem>>, %arg14: memref<!tpu.dma_semaphore, #tpu.memory_space<semaphore_mem>>) attributes {dimension_semantics = [#tpu.dimension_semantics<core_parallel>, #tpu.dimension_semantics<subcore_parallel>], iteration_bounds = array<i64: 2, 16>, scalar_prefetch = 0 : i64, scratch_operands = 8 : i64, tpu.core_type = #tpu.core_type<sc_vector_subcore>, window_params = [{transform_indices = #map}, {transform_indices = #map}, {transform_indices = #map1}, {transform_indices = #map1}, {transform_indices = #map1}]} {
    %mul3A = arith.constant 2 : i32
    %mul3A_0 = arith.muli %arg1, %mul3A : i32
    %add3A = arith.addi %mul3A_0, %arg0 : i32
    %mul3A_1 = arith.constant 6400 : i32
    %mul3A_2 = arith.muli %add3A, %mul3A_1 : i32
    "tpu.region"() ({
      %run_scoped3A = tpu.sem_alloc : memref<!tpu.dma_semaphore, #tpu.memory_space<semaphore_mem>>
      %dma_start3A_44 = tpu.memref_slice %arg2[%mul3A_2] : memref<204800xi32, #tpu.memory_space<hbm>> -> memref<6400xi32, #tpu.memory_space<hbm>>
      %dma_start3A_45 = tpu.memref_slice %arg2[%mul3A_2] : memref<204800xi32, #tpu.memory_space<hbm>> -> memref<6400xi32, #tpu.memory_space<hbm>>
      tpu.enqueue_dma source(%dma_start3A_45 : memref<6400xi32, #tpu.memory_space<hbm>>) target(%arg7 : memref<6400xi32, #tpu.memory_space<vmem>>) target_semaphore(%run_scoped3A : memref<!tpu.dma_semaphore, #tpu.memory_space<semaphore_mem>>)
      %dma_wait3A_46 = tpu.memref_slice %arg2[%mul3A_2] : memref<204800xi32, #tpu.memory_space<hbm>> -> memref<6400xi32, #tpu.memory_space<hbm>>
      %dma_wait3A_47 = tpu.memref_slice %arg2[%mul3A_2] : memref<204800xi32, #tpu.memory_space<hbm>> -> memref<6400xi32, #tpu.memory_space<hbm>>
      tpu.wait_dma2 semaphore(%run_scoped3A : memref<!tpu.dma_semaphore, #tpu.memory_space<semaphore_mem>>) src(%dma_wait3A_47 : memref<6400xi32, #tpu.memory_space<hbm>>) dst(%arg7 : memref<6400xi32, #tpu.memory_space<vmem>>)
      tpu.yield
    }) : () -> ()
    "tpu.region"() ({
      %run_scoped3A = tpu.sem_alloc : memref<!tpu.dma_semaphore, #tpu.memory_space<semaphore_mem>>
      %dma_start3A_44 = tpu.memref_slice %arg3[%mul3A_2] : memref<204800xi32, #tpu.memory_space<hbm>> -> memref<6400xi32, #tpu.memory_space<hbm>>
      %dma_start3A_45 = tpu.memref_slice %arg3[%mul3A_2] : memref<204800xi32, #tpu.memory_space<hbm>> -> memref<6400xi32, #tpu.memory_space<hbm>>
      tpu.enqueue_dma source(%dma_start3A_45 : memref<6400xi32, #tpu.memory_space<hbm>>) target(%arg8 : memref<6400xi32, #tpu.memory_space<vmem>>) target_semaphore(%run_scoped3A : memref<!tpu.dma_semaphore, #tpu.memory_space<semaphore_mem>>)
      %dma_wait3A_46 = tpu.memref_slice %arg3[%mul3A_2] : memref<204800xi32, #tpu.memory_space<hbm>> -> memref<6400xi32, #tpu.memory_space<hbm>>
      %dma_wait3A_47 = tpu.memref_slice %arg3[%mul3A_2] : memref<204800xi32, #tpu.memory_space<hbm>> -> memref<6400xi32, #tpu.memory_space<hbm>>
      tpu.wait_dma2 semaphore(%run_scoped3A : memref<!tpu.dma_semaphore, #tpu.memory_space<semaphore_mem>>) src(%dma_wait3A_47 : memref<6400xi32, #tpu.memory_space<hbm>>) dst(%arg8 : memref<6400xi32, #tpu.memory_space<vmem>>)
      tpu.yield
    }) : () -> ()
    %iota3A = tpu.iota {dimensions = array<i32: 0>} : vector<16xi32>
    %scan3A = arith.constant 0 : i32
    %scan3A_3 = arith.constant 400 : i32
    %scan3A_4 = arith.addi %scan3A, %scan3A_3 : i32
    %scan3A_5 = arith.constant 1 : i32
    scf.for %scan3A_44 = %scan3A to %scan3A_4 step %scan3A_5  : i32 {
      %mul3A_45 = arith.constant 1 : i32
      %mul3A_46 = arith.muli %scan3A_44, %mul3A_45 : i32
      %add3A_47 = arith.constant 0 : i32
      %add3A_48 = arith.addi %add3A_47, %mul3A_46 : i32
      %mul3A_49 = arith.constant 16 : i32
      %mul3A_50 = arith.muli %add3A_48, %mul3A_49 : i32
      %mul3A_51 = arith.constant 16 : i32
      %mul3A_52 = arith.muli %add3A_48, %mul3A_51 : i32
      %add3A_53 = vector.broadcast %mul3A_52 : i32 to vector<16xi32>
      %add3A_54 = arith.addi %iota3A, %add3A_53 : vector<16xi32>
      %jit3A = arith.constant 200 : i32
      %eq3A = arith.constant 0 : i32
      %eq3A_55 = arith.cmpi eq, %jit3A, %eq3A : i32
      %jit3A_56 = arith.constant 1 : i32
      %select_n3A = arith.select %eq3A_55, %jit3A_56, %jit3A : i32
      %rem3A = vector.broadcast %select_n3A : i32 to vector<16xi32>
      %rem3A_57 = arith.remsi %add3A_54, %rem3A : vector<16xi32>
      %ne3A = arith.constant 0 : i32
      %ne3A_58 = vector.broadcast %ne3A : i32 to vector<16xi32>
      %ne3A_59 = arith.cmpi ne, %rem3A_57, %ne3A_58 : vector<16xi32>
      %lt3A = arith.constant 0 : i32
      %lt3A_60 = vector.broadcast %lt3A : i32 to vector<16xi32>
      %lt3A_61 = arith.cmpi slt, %rem3A_57, %lt3A_60 : vector<16xi32>
      %lt3A_62 = arith.constant 0 : i32
      %lt3A_63 = arith.cmpi slt, %select_n3A, %lt3A_62 : i32
      %ne3A_64 = vector.broadcast %lt3A_63 : i1 to vector<16xi1>
      %ne3A_65 = vector.broadcast %ne3A_64 : vector<16xi1> to vector<16xi1>
      %ne3A_66 = arith.xori %lt3A_61, %ne3A_65 : vector<16xi1>
      %and3A = arith.andi %ne3A_66, %ne3A_59 : vector<16xi1>
      %add3A_67 = vector.broadcast %select_n3A : i32 to vector<16xi32>
      %add3A_68 = arith.addi %rem3A_57, %add3A_67 : vector<16xi32>
      %select_n3A_69 = arith.select %and3A, %add3A_68, %rem3A_57 : vector<16xi1>, vector<16xi32>
      %get3A = arith.index_cast %mul3A_50 : i32 to index
      %get3A_70 = tpu.vector_load %arg8[%get3A] {strides = array<i32>} : memref<6400xi32, #tpu.memory_space<vmem>>, vector<16xi32>,
      %get3A_71 = vector.shape_cast %get3A_70 : vector<16xi32> to vector<16xi32>
      %mul3A_72 = arith.constant 200 : i32
      %mul3A_73 = vector.broadcast %mul3A_72 : i32 to vector<16xi32>
      %mul3A_74 = arith.muli %get3A_71, %mul3A_73 : vector<16xi32>
      %add3A_75 = arith.addi %mul3A_74, %select_n3A_69 : vector<16xi32>
      %swap3A = arith.index_cast %mul3A_50 : i32 to index
      %swap3A_76 = tpu.vector_load %arg8[%swap3A] {strides = array<i32>} : memref<6400xi32, #tpu.memory_space<vmem>>, vector<16xi32>,
      %swap3A_77 = vector.shape_cast %swap3A_76 : vector<16xi32> to vector<16xi32>
      %swap3A_78 = vector.shape_cast %add3A_75 : vector<16xi32> to vector<16xi32>
      tpu.vector_store %arg8[%swap3A], %swap3A_78 {strides = array<i32>} : memref<6400xi32, #tpu.memory_space<vmem>>, vector<16xi32>,
    }
    %scan3A_6 = arith.constant 400 : i32
    %multiple_of3A = arith.constant 0 : i32
    %multiple_of3A_7 = tpu.assume_multiple %multiple_of3A, 128 : i32
    %dma_start3A = arith.constant 0 : i32
    %dma_start3A_8 = arith.constant 0 : i32
    %dma_start3A_9 = arith.constant 0 : i32
    %dma_start3A_10 = tpu.memref_slice %arg9[%dma_start3A, %dma_start3A_8, %dma_start3A_9] : memref<2x128x128xf32, #tpu.memory_space<vmem>> -> memref<1x128x128xf32, #tpu.memory_space<vmem>>
    %dma_start3A_11 = tpu.memref_squeeze %dma_start3A_10 : memref<1x128x128xf32, #tpu.memory_space<vmem>> -> memref<128x128xf32, #tpu.memory_space<vmem>>
    %dma_start3A_12 = tpu.memref_slice %arg7[%multiple_of3A_7] : memref<6400xi32, #tpu.memory_space<vmem>> -> memref<128xi32, #tpu.memory_space<vmem>>
    %dma_start3A_13 = arith.constant 0 : i32
    %dma_start3A_14 = arith.constant 0 : i32
    %dma_start3A_15 = tpu.memref_slice %arg4[%dma_start3A_13, %dma_start3A_14] : memref<100000x128xf32, #tpu.memory_space<hbm>> -> memref<100000x128xf32, #tpu.memory_space<hbm>>
    tpu.enqueue_indirect_dma source(%dma_start3A_15 : memref<100000x128xf32, #tpu.memory_space<hbm>>) target(%dma_start3A_11 : memref<128x128xf32, #tpu.memory_space<vmem>>) offsets(%dma_start3A_12 : memref<128xi32, #tpu.memory_space<vmem>>) semaphore(%arg11 : memref<!tpu.dma_semaphore, #tpu.memory_space<semaphore_mem>>)
    %dma_start3A_16 = arith.constant 0 : i32
    %dma_start3A_17 = arith.constant 0 : i32
    %dma_start3A_18 = arith.constant 0 : i32
    %dma_start3A_19 = tpu.memref_slice %arg10[%dma_start3A_16, %dma_start3A_17, %dma_start3A_18] : memref<2x128x128xf32, #tpu.memory_space<vmem>> -> memref<1x128x128xf32, #tpu.memory_space<vmem>>
    %dma_start3A_20 = tpu.memref_squeeze %dma_start3A_19 : memref<1x128x128xf32, #tpu.memory_space<vmem>> -> memref<128x128xf32, #tpu.memory_space<vmem>>
    %dma_start3A_21 = tpu.memref_slice %arg8[%multiple_of3A_7] : memref<6400xi32, #tpu.memory_space<vmem>> -> memref<128xi32, #tpu.memory_space<vmem>>
    %dma_start3A_22 = arith.constant 0 : i32
    %dma_start3A_23 = arith.constant 0 : i32
    %dma_start3A_24 = tpu.memref_slice %arg5[%dma_start3A_22, %dma_start3A_23] : memref<600x128xf32, #tpu.memory_space<hbm>> -> memref<600x128xf32, #tpu.memory_space<hbm>>
    tpu.enqueue_indirect_dma source(%dma_start3A_24 : memref<600x128xf32, #tpu.memory_space<hbm>>) target(%dma_start3A_20 : memref<128x128xf32, #tpu.memory_space<vmem>>) offsets(%dma_start3A_21 : memref<128xi32, #tpu.memory_space<vmem>>) semaphore(%arg11 : memref<!tpu.dma_semaphore, #tpu.memory_space<semaphore_mem>>)
    %scan3A_25 = arith.constant 0 : i32
    %scan3A_26 = arith.constant 25 : i32
    %scan3A_27 = arith.addi %scan3A_25, %scan3A_26 : i32
    %scan3A_28 = arith.constant 1 : i32
    scf.for %scan3A_44 = %scan3A_25 to %scan3A_27 step %scan3A_28  : i32 {
      %mul3A_45 = arith.constant 1 : i32
      %mul3A_46 = arith.muli %scan3A_44, %mul3A_45 : i32
      %add3A_47 = arith.constant 0 : i32
      %add3A_48 = arith.addi %add3A_47, %mul3A_46 : i32
      %mul3A_49 = arith.constant 2 : i32
      %mul3A_50 = arith.muli %add3A_48, %mul3A_49 : i32
      %add3A_51 = arith.constant 0 : i32
      %add3A_52 = arith.addi %mul3A_50, %add3A_51 : i32
      %ge3A = arith.constant 1 : i32
      %ge3A_53 = arith.cmpi sge, %add3A_52, %ge3A : i32
      %convert_element_type3A = arith.extui %ge3A_53 : i1 to i32
      %cond3A = arith.constant 0 : i32
      %cond3A_54 = arith.cmpi ne, %convert_element_type3A, %cond3A : i32
      scf.if %cond3A_54 {
        %dma_wait3A_163 = arith.constant 1 : i32
        %dma_wait3A_164 = arith.constant 0 : i32
        %dma_wait3A_165 = arith.constant 0 : i32
        %dma_wait3A_166 = tpu.memref_slice %arg9[%dma_wait3A_163, %dma_wait3A_164, %dma_wait3A_165] : memref<2x128x128xf32, #tpu.memory_space<vmem>> -> memref<1x128x128xf32, #tpu.memory_space<vmem>>
        %dma_wait3A_167 = tpu.memref_squeeze %dma_wait3A_166 : memref<1x128x128xf32, #tpu.memory_space<vmem>> -> memref<128x128xf32, #tpu.memory_space<vmem>>
        %dma_wait3A_168 = arith.constant 0 : i32
        %dma_wait3A_169 = arith.constant 0 : i32
        %dma_wait3A_170 = tpu.memref_slice %arg6[%dma_wait3A_168, %dma_wait3A_169] : memref<204800x128xf32, #tpu.memory_space<hbm>> -> memref<128x128xf32, #tpu.memory_space<hbm>>
        %dma_wait3A_171 = arith.constant 0 : i32
        %dma_wait3A_172 = arith.constant 0 : i32
        %dma_wait3A_173 = tpu.memref_slice %arg6[%dma_wait3A_171, %dma_wait3A_172] : memref<204800x128xf32, #tpu.memory_space<hbm>> -> memref<128x128xf32, #tpu.memory_space<hbm>>
        %dma_wait3A_174 = arith.constant 0 : i32
        %dma_wait3A_175 = arith.constant 0 : i32
        %dma_wait3A_176 = tpu.memref_slice %arg9[%dma_wait3A_163, %dma_wait3A_174, %dma_wait3A_175] : memref<2x128x128xf32, #tpu.memory_space<vmem>> -> memref<1x128x128xf32, #tpu.memory_space<vmem>>
        %dma_wait3A_177 = tpu.memref_squeeze %dma_wait3A_176 : memref<1x128x128xf32, #tpu.memory_space<vmem>> -> memref<128x128xf32, #tpu.memory_space<vmem>>
        tpu.wait_dma2 semaphore(%arg14 : memref<!tpu.dma_semaphore, #tpu.memory_space<semaphore_mem>>) src(%dma_wait3A_177 : memref<128x128xf32, #tpu.memory_space<vmem>>) dst(%dma_wait3A_173 : memref<128x128xf32, #tpu.memory_space<hbm>>)
      } else {
      }
      %add3A_55 = arith.constant 1 : i32
      %add3A_56 = arith.addi %add3A_52, %add3A_55 : i32
      %lt3A = arith.constant 50 : i32
      %lt3A_57 = arith.cmpi slt, %add3A_56, %lt3A : i32
      %convert_element_type3A_58 = arith.extui %lt3A_57 : i1 to i32
      %cond3A_59 = arith.constant 0 : i32
      %cond3A_60 = arith.cmpi ne, %convert_element_type3A_58, %cond3A_59 : i32
      scf.if %cond3A_60 {
        %add3A_163 = arith.constant 1 : i32
        %add3A_164 = arith.addi %add3A_52, %add3A_163 : i32
        %mul3A_165 = arith.constant 128 : i32
        %mul3A_166 = arith.muli %add3A_164, %mul3A_165 : i32
        %multiple_of3A_167 = tpu.assume_multiple %mul3A_166, 128 : i32
        %dma_start3A_168 = arith.constant 1 : i32
        %dma_start3A_169 = arith.constant 0 : i32
        %dma_start3A_170 = arith.constant 0 : i32
        %dma_start3A_171 = tpu.memref_slice %arg9[%dma_start3A_168, %dma_start3A_169, %dma_start3A_170] : memref<2x128x128xf32, #tpu.memory_space<vmem>> -> memref<1x128x128xf32, #tpu.memory_space<vmem>>
        %dma_start3A_172 = tpu.memref_squeeze %dma_start3A_171 : memref<1x128x128xf32, #tpu.memory_space<vmem>> -> memref<128x128xf32, #tpu.memory_space<vmem>>
        %dma_start3A_173 = tpu.memref_slice %arg7[%multiple_of3A_167] : memref<6400xi32, #tpu.memory_space<vmem>> -> memref<128xi32, #tpu.memory_space<vmem>>
        %dma_start3A_174 = arith.constant 0 : i32
        %dma_start3A_175 = arith.constant 0 : i32
        %dma_start3A_176 = tpu.memref_slice %arg4[%dma_start3A_174, %dma_start3A_175] : memref<100000x128xf32, #tpu.memory_space<hbm>> -> memref<100000x128xf32, #tpu.memory_space<hbm>>
        tpu.enqueue_indirect_dma source(%dma_start3A_176 : memref<100000x128xf32, #tpu.memory_space<hbm>>) target(%dma_start3A_172 : memref<128x128xf32, #tpu.memory_space<vmem>>) offsets(%dma_start3A_173 : memref<128xi32, #tpu.memory_space<vmem>>) semaphore(%arg12 : memref<!tpu.dma_semaphore, #tpu.memory_space<semaphore_mem>>)
        %dma_start3A_177 = arith.constant 1 : i32
        %dma_start3A_178 = arith.constant 0 : i32
        %dma_start3A_179 = arith.constant 0 : i32
        %dma_start3A_180 = tpu.memref_slice %arg10[%dma_start3A_177, %dma_start3A_178, %dma_start3A_179] : memref<2x128x128xf32, #tpu.memory_space<vmem>> -> memref<1x128x128xf32, #tpu.memory_space<vmem>>
        %dma_start3A_181 = tpu.memref_squeeze %dma_start3A_180 : memref<1x128x128xf32, #tpu.memory_space<vmem>> -> memref<128x128xf32, #tpu.memory_space<vmem>>
        %dma_start3A_182 = tpu.memref_slice %arg8[%multiple_of3A_167] : memref<6400xi32, #tpu.memory_space<vmem>> -> memref<128xi32, #tpu.memory_space<vmem>>
        %dma_start3A_183 = arith.constant 0 : i32
        %dma_start3A_184 = arith.constant 0 : i32
        %dma_start3A_185 = tpu.memref_slice %arg5[%dma_start3A_183, %dma_start3A_184] : memref<600x128xf32, #tpu.memory_space<hbm>> -> memref<600x128xf32, #tpu.memory_space<hbm>>
        tpu.enqueue_indirect_dma source(%dma_start3A_185 : memref<600x128xf32, #tpu.memory_space<hbm>>) target(%dma_start3A_181 : memref<128x128xf32, #tpu.memory_space<vmem>>) offsets(%dma_start3A_182 : memref<128xi32, #tpu.memory_space<vmem>>) semaphore(%arg12 : memref<!tpu.dma_semaphore, #tpu.memory_space<semaphore_mem>>)
      } else {
      }
      %mul3A_61 = arith.constant 128 : i32
      %mul3A_62 = arith.muli %add3A_52, %mul3A_61 : i32
      %multiple_of3A_63 = tpu.assume_multiple %mul3A_62, 128 : i32
      %dma_wait3A_64 = arith.constant 0 : i32
      %dma_wait3A_65 = arith.constant 0 : i32
      %dma_wait3A_66 = arith.constant 0 : i32
      %dma_wait3A_67 = tpu.memref_slice %arg9[%dma_wait3A_64, %dma_wait3A_65, %dma_wait3A_66] : memref<2x128x128xf32, #tpu.memory_space<vmem>> -> memref<1x128x128xf32, #tpu.memory_space<vmem>>
      %dma_wait3A_68 = tpu.memref_squeeze %dma_wait3A_67 : memref<1x128x128xf32, #tpu.memory_space<vmem>> -> memref<128x128xf32, #tpu.memory_space<vmem>>
      %dma_wait3A_69 = tpu.memref_slice %arg7[%multiple_of3A_63] : memref<6400xi32, #tpu.memory_space<vmem>> -> memref<128xi32, #tpu.memory_space<vmem>>
      %dma_wait3A_70 = arith.constant 0 : i32
      %dma_wait3A_71 = arith.constant 0 : i32
      %dma_wait3A_72 = tpu.memref_slice %arg4[%dma_wait3A_70, %dma_wait3A_71] : memref<100000x128xf32, #tpu.memory_space<hbm>> -> memref<100000x128xf32, #tpu.memory_space<hbm>>
      tpu.wait_indirect_dma semaphore(%arg11 : memref<!tpu.dma_semaphore, #tpu.memory_space<semaphore_mem>>) src(%dma_wait3A_72 : memref<100000x128xf32, #tpu.memory_space<hbm>>) dst(%dma_wait3A_68 : memref<128x128xf32, #tpu.memory_space<vmem>>)
      %dma_wait3A_73 = arith.constant 0 : i32
      %dma_wait3A_74 = arith.constant 0 : i32
      %dma_wait3A_75 = arith.constant 0 : i32
      %dma_wait3A_76 = tpu.memref_slice %arg10[%dma_wait3A_73, %dma_wait3A_74, %dma_wait3A_75] : memref<2x128x128xf32, #tpu.memory_space<vmem>> -> memref<1x128x128xf32, #tpu.memory_space<vmem>>
      %dma_wait3A_77 = tpu.memref_squeeze %dma_wait3A_76 : memref<1x128x128xf32, #tpu.memory_space<vmem>> -> memref<128x128xf32, #tpu.memory_space<vmem>>
      %dma_wait3A_78 = tpu.memref_slice %arg8[%multiple_of3A_63] : memref<6400xi32, #tpu.memory_space<vmem>> -> memref<128xi32, #tpu.memory_space<vmem>>
      %dma_wait3A_79 = arith.constant 0 : i32
      %dma_wait3A_80 = arith.constant 0 : i32
      %dma_wait3A_81 = tpu.memref_slice %arg5[%dma_wait3A_79, %dma_wait3A_80] : memref<600x128xf32, #tpu.memory_space<hbm>> -> memref<600x128xf32, #tpu.memory_space<hbm>>
      tpu.wait_indirect_dma semaphore(%arg11 : memref<!tpu.dma_semaphore, #tpu.memory_space<semaphore_mem>>) src(%dma_wait3A_81 : memref<600x128xf32, #tpu.memory_space<hbm>>) dst(%dma_wait3A_77 : memref<128x128xf32, #tpu.memory_space<vmem>>)
      %scan3A_82 = arith.constant 0 : i32
      %scan3A_83 = arith.constant 128 : i32
      %scan3A_84 = arith.addi %scan3A_82, %scan3A_83 : i32
      %scan3A_85 = arith.constant 1 : i32
      scf.for %scan3A_163 = %scan3A_82 to %scan3A_84 step %scan3A_85  : i32 {
        %mul3A_164 = arith.constant 1 : i32
        %mul3A_165 = arith.muli %scan3A_163, %mul3A_164 : i32
        %add3A_166 = arith.constant 0 : i32
        %add3A_167 = arith.addi %add3A_166, %mul3A_165 : i32
        %get3A = arith.constant 0 : i32
        %get3A_168 = arith.index_cast %get3A : i32 to index
        %get3A_169 = arith.index_cast %add3A_167 : i32 to index
        %get3A_170 = arith.constant 0 : index
        %get3A_171 = tpu.vector_load %arg9[%get3A_168, %get3A_169, %get3A_170] {strides = array<i32>} : memref<2x128x128xf32, #tpu.memory_space<vmem>>, vector<1x1x16xf32>,
        %get3A_172 = vector.shape_cast %get3A_171 : vector<1x1x16xf32> to vector<16xf32>
        %get3A_173 = arith.constant 0 : i32
        %get3A_174 = arith.index_cast %get3A_173 : i32 to index
        %get3A_175 = arith.index_cast %add3A_167 : i32 to index
        %get3A_176 = arith.constant 0 : index
        %get3A_177 = tpu.vector_load %arg10[%get3A_174, %get3A_175, %get3A_176] {strides = array<i32>} : memref<2x128x128xf32, #tpu.memory_space<vmem>>, vector<1x1x16xf32>,
        %get3A_178 = vector.shape_cast %get3A_177 : vector<1x1x16xf32> to vector<16xf32>
        %add3A_179 = arith.addf %get3A_172, %get3A_178 : vector<16xf32>
        %swap3A = arith.constant 0 : i32
        %swap3A_180 = arith.index_cast %swap3A : i32 to index
        %swap3A_181 = arith.index_cast %add3A_167 : i32 to index
        %swap3A_182 = arith.constant 0 : index
        %swap3A_183 = tpu.vector_load %arg9[%swap3A_180, %swap3A_181, %swap3A_182] {strides = array<i32>} : memref<2x128x128xf32, #tpu.memory_space<vmem>>, vector<1x1x16xf32>,
        %swap3A_184 = vector.shape_cast %swap3A_183 : vector<1x1x16xf32> to vector<16xf32>
        %swap3A_185 = vector.shape_cast %add3A_179 : vector<16xf32> to vector<1x1x16xf32>
        tpu.vector_store %arg9[%swap3A_180, %swap3A_181, %swap3A_182], %swap3A_185 {strides = array<i32>} : memref<2x128x128xf32, #tpu.memory_space<vmem>>, vector<1x1x16xf32>,
        %get3A_186 = arith.constant 0 : i32
        %get3A_187 = arith.index_cast %get3A_186 : i32 to index
        %get3A_188 = arith.index_cast %add3A_167 : i32 to index
        %get3A_189 = arith.constant 16 : index
        %get3A_190 = tpu.vector_load %arg9[%get3A_187, %get3A_188, %get3A_189] {strides = array<i32>} : memref<2x128x128xf32, #tpu.memory_space<vmem>>, vector<1x1x16xf32>,
        %get3A_191 = vector.shape_cast %get3A_190 : vector<1x1x16xf32> to vector<16xf32>
        %get3A_192 = arith.constant 0 : i32
        %get3A_193 = arith.index_cast %get3A_192 : i32 to index
        %get3A_194 = arith.index_cast %add3A_167 : i32 to index
        %get3A_195 = arith.constant 16 : index
        %get3A_196 = tpu.vector_load %arg10[%get3A_193, %get3A_194, %get3A_195] {strides = array<i32>} : memref<2x128x128xf32, #tpu.memory_space<vmem>>, vector<1x1x16xf32>,
        %get3A_197 = vector.shape_cast %get3A_196 : vector<1x1x16xf32> to vector<16xf32>
        %add3A_198 = arith.addf %get3A_191, %get3A_197 : vector<16xf32>
        %swap3A_199 = arith.constant 0 : i32
        %swap3A_200 = arith.index_cast %swap3A_199 : i32 to index
        %swap3A_201 = arith.index_cast %add3A_167 : i32 to index
        %swap3A_202 = arith.constant 16 : index
        %swap3A_203 = tpu.vector_load %arg9[%swap3A_200, %swap3A_201, %swap3A_202] {strides = array<i32>} : memref<2x128x128xf32, #tpu.memory_space<vmem>>, vector<1x1x16xf32>,
        %swap3A_204 = vector.shape_cast %swap3A_203 : vector<1x1x16xf32> to vector<16xf32>
        %swap3A_205 = vector.shape_cast %add3A_198 : vector<16xf32> to vector<1x1x16xf32>
        tpu.vector_store %arg9[%swap3A_200, %swap3A_201, %swap3A_202], %swap3A_205 {strides = array<i32>} : memref<2x128x128xf32, #tpu.memory_space<vmem>>, vector<1x1x16xf32>,
        %get3A_206 = arith.constant 0 : i32
        %get3A_207 = arith.index_cast %get3A_206 : i32 to index
        %get3A_208 = arith.index_cast %add3A_167 : i32 to index
        %get3A_209 = arith.constant 32 : index
        %get3A_210 = tpu.vector_load %arg9[%get3A_207, %get3A_208, %get3A_209] {strides = array<i32>} : memref<2x128x128xf32, #tpu.memory_space<vmem>>, vector<1x1x16xf32>,
        %get3A_211 = vector.shape_cast %get3A_210 : vector<1x1x16xf32> to vector<16xf32>
        %get3A_212 = arith.constant 0 : i32
        %get3A_213 = arith.index_cast %get3A_212 : i32 to index
        %get3A_214 = arith.index_cast %add3A_167 : i32 to index
        %get3A_215 = arith.constant 32 : index
        %get3A_216 = tpu.vector_load %arg10[%get3A_213, %get3A_214, %get3A_215] {strides = array<i32>} : memref<2x128x128xf32, #tpu.memory_space<vmem>>, vector<1x1x16xf32>,
        %get3A_217 = vector.shape_cast %get3A_216 : vector<1x1x16xf32> to vector<16xf32>
        %add3A_218 = arith.addf %get3A_211, %get3A_217 : vector<16xf32>
        %swap3A_219 = arith.constant 0 : i32
        %swap3A_220 = arith.index_cast %swap3A_219 : i32 to index
        %swap3A_221 = arith.index_cast %add3A_167 : i32 to index
        %swap3A_222 = arith.constant 32 : index
        %swap3A_223 = tpu.vector_load %arg9[%swap3A_220, %swap3A_221, %swap3A_222] {strides = array<i32>} : memref<2x128x128xf32, #tpu.memory_space<vmem>>, vector<1x1x16xf32>,
        %swap3A_224 = vector.shape_cast %swap3A_223 : vector<1x1x16xf32> to vector<16xf32>
        %swap3A_225 = vector.shape_cast %add3A_218 : vector<16xf32> to vector<1x1x16xf32>
        tpu.vector_store %arg9[%swap3A_220, %swap3A_221, %swap3A_222], %swap3A_225 {strides = array<i32>} : memref<2x128x128xf32, #tpu.memory_space<vmem>>, vector<1x1x16xf32>,
        %get3A_226 = arith.constant 0 : i32
        %get3A_227 = arith.index_cast %get3A_226 : i32 to index
        %get3A_228 = arith.index_cast %add3A_167 : i32 to index
        %get3A_229 = arith.constant 48 : index
        %get3A_230 = tpu.vector_load %arg9[%get3A_227, %get3A_228, %get3A_229] {strides = array<i32>} : memref<2x128x128xf32, #tpu.memory_space<vmem>>, vector<1x1x16xf32>,
        %get3A_231 = vector.shape_cast %get3A_230 : vector<1x1x16xf32> to vector<16xf32>
        %get3A_232 = arith.constant 0 : i32
        %get3A_233 = arith.index_cast %get3A_232 : i32 to index
        %get3A_234 = arith.index_cast %add3A_167 : i32 to index
        %get3A_235 = arith.constant 48 : index
        %get3A_236 = tpu.vector_load %arg10[%get3A_233, %get3A_234, %get3A_235] {strides = array<i32>} : memref<2x128x128xf32, #tpu.memory_space<vmem>>, vector<1x1x16xf32>,
        %get3A_237 = vector.shape_cast %get3A_236 : vector<1x1x16xf32> to vector<16xf32>
        %add3A_238 = arith.addf %get3A_231, %get3A_237 : vector<16xf32>
        %swap3A_239 = arith.constant 0 : i32
        %swap3A_240 = arith.index_cast %swap3A_239 : i32 to index
        %swap3A_241 = arith.index_cast %add3A_167 : i32 to index
        %swap3A_242 = arith.constant 48 : index
        %swap3A_243 = tpu.vector_load %arg9[%swap3A_240, %swap3A_241, %swap3A_242] {strides = array<i32>} : memref<2x128x128xf32, #tpu.memory_space<vmem>>, vector<1x1x16xf32>,
        %swap3A_244 = vector.shape_cast %swap3A_243 : vector<1x1x16xf32> to vector<16xf32>
        %swap3A_245 = vector.shape_cast %add3A_238 : vector<16xf32> to vector<1x1x16xf32>
        tpu.vector_store %arg9[%swap3A_240, %swap3A_241, %swap3A_242], %swap3A_245 {strides = array<i32>} : memref<2x128x128xf32, #tpu.memory_space<vmem>>, vector<1x1x16xf32>,
        %get3A_246 = arith.constant 0 : i32
        %get3A_247 = arith.index_cast %get3A_246 : i32 to index
        %get3A_248 = arith.index_cast %add3A_167 : i32 to index
        %get3A_249 = arith.constant 64 : index
        %get3A_250 = tpu.vector_load %arg9[%get3A_247, %get3A_248, %get3A_249] {strides = array<i32>} : memref<2x128x128xf32, #tpu.memory_space<vmem>>, vector<1x1x16xf32>,
        %get3A_251 = vector.shape_cast %get3A_250 : vector<1x1x16xf32> to vector<16xf32>
        %get3A_252 = arith.constant 0 : i32
        %get3A_253 = arith.index_cast %get3A_252 : i32 to index
        %get3A_254 = arith.index_cast %add3A_167 : i32 to index
        %get3A_255 = arith.constant 64 : index
        %get3A_256 = tpu.vector_load %arg10[%get3A_253, %get3A_254, %get3A_255] {strides = array<i32>} : memref<2x128x128xf32, #tpu.memory_space<vmem>>, vector<1x1x16xf32>,
        %get3A_257 = vector.shape_cast %get3A_256 : vector<1x1x16xf32> to vector<16xf32>
        %add3A_258 = arith.addf %get3A_251, %get3A_257 : vector<16xf32>
        %swap3A_259 = arith.constant 0 : i32
        %swap3A_260 = arith.index_cast %swap3A_259 : i32 to index
        %swap3A_261 = arith.index_cast %add3A_167 : i32 to index
        %swap3A_262 = arith.constant 64 : index
        %swap3A_263 = tpu.vector_load %arg9[%swap3A_260, %swap3A_261, %swap3A_262] {strides = array<i32>} : memref<2x128x128xf32, #tpu.memory_space<vmem>>, vector<1x1x16xf32>,
        %swap3A_264 = vector.shape_cast %swap3A_263 : vector<1x1x16xf32> to vector<16xf32>
        %swap3A_265 = vector.shape_cast %add3A_258 : vector<16xf32> to vector<1x1x16xf32>
        tpu.vector_store %arg9[%swap3A_260, %swap3A_261, %swap3A_262], %swap3A_265 {strides = array<i32>} : memref<2x128x128xf32, #tpu.memory_space<vmem>>, vector<1x1x16xf32>,
        %get3A_266 = arith.constant 0 : i32
        %get3A_267 = arith.index_cast %get3A_266 : i32 to index
        %get3A_268 = arith.index_cast %add3A_167 : i32 to index
        %get3A_269 = arith.constant 80 : index
        %get3A_270 = tpu.vector_load %arg9[%get3A_267, %get3A_268, %get3A_269] {strides = array<i32>} : memref<2x128x128xf32, #tpu.memory_space<vmem>>, vector<1x1x16xf32>,
        %get3A_271 = vector.shape_cast %get3A_270 : vector<1x1x16xf32> to vector<16xf32>
        %get3A_272 = arith.constant 0 : i32
        %get3A_273 = arith.index_cast %get3A_272 : i32 to index
        %get3A_274 = arith.index_cast %add3A_167 : i32 to index
        %get3A_275 = arith.constant 80 : index
        %get3A_276 = tpu.vector_load %arg10[%get3A_273, %get3A_274, %get3A_275] {strides = array<i32>} : memref<2x128x128xf32, #tpu.memory_space<vmem>>, vector<1x1x16xf32>,
        %get3A_277 = vector.shape_cast %get3A_276 : vector<1x1x16xf32> to vector<16xf32>
        %add3A_278 = arith.addf %get3A_271, %get3A_277 : vector<16xf32>
        %swap3A_279 = arith.constant 0 : i32
        %swap3A_280 = arith.index_cast %swap3A_279 : i32 to index
        %swap3A_281 = arith.index_cast %add3A_167 : i32 to index
        %swap3A_282 = arith.constant 80 : index
        %swap3A_283 = tpu.vector_load %arg9[%swap3A_280, %swap3A_281, %swap3A_282] {strides = array<i32>} : memref<2x128x128xf32, #tpu.memory_space<vmem>>, vector<1x1x16xf32>,
        %swap3A_284 = vector.shape_cast %swap3A_283 : vector<1x1x16xf32> to vector<16xf32>
        %swap3A_285 = vector.shape_cast %add3A_278 : vector<16xf32> to vector<1x1x16xf32>
        tpu.vector_store %arg9[%swap3A_280, %swap3A_281, %swap3A_282], %swap3A_285 {strides = array<i32>} : memref<2x128x128xf32, #tpu.memory_space<vmem>>, vector<1x1x16xf32>,
        %get3A_286 = arith.constant 0 : i32
        %get3A_287 = arith.index_cast %get3A_286 : i32 to index
        %get3A_288 = arith.index_cast %add3A_167 : i32 to index
        %get3A_289 = arith.constant 96 : index
        %get3A_290 = tpu.vector_load %arg9[%get3A_287, %get3A_288, %get3A_289] {strides = array<i32>} : memref<2x128x128xf32, #tpu.memory_space<vmem>>, vector<1x1x16xf32>,
        %get3A_291 = vector.shape_cast %get3A_290 : vector<1x1x16xf32> to vector<16xf32>
        %get3A_292 = arith.constant 0 : i32
        %get3A_293 = arith.index_cast %get3A_292 : i32 to index
        %get3A_294 = arith.index_cast %add3A_167 : i32 to index
        %get3A_295 = arith.constant 96 : index
        %get3A_296 = tpu.vector_load %arg10[%get3A_293, %get3A_294, %get3A_295] {strides = array<i32>} : memref<2x128x128xf32, #tpu.memory_space<vmem>>, vector<1x1x16xf32>,
        %get3A_297 = vector.shape_cast %get3A_296 : vector<1x1x16xf32> to vector<16xf32>
        %add3A_298 = arith.addf %get3A_291, %get3A_297 : vector<16xf32>
        %swap3A_299 = arith.constant 0 : i32
        %swap3A_300 = arith.index_cast %swap3A_299 : i32 to index
        %swap3A_301 = arith.index_cast %add3A_167 : i32 to index
        %swap3A_302 = arith.constant 96 : index
        %swap3A_303 = tpu.vector_load %arg9[%swap3A_300, %swap3A_301, %swap3A_302] {strides = array<i32>} : memref<2x128x128xf32, #tpu.memory_space<vmem>>, vector<1x1x16xf32>,
        %swap3A_304 = vector.shape_cast %swap3A_303 : vector<1x1x16xf32> to vector<16xf32>
        %swap3A_305 = vector.shape_cast %add3A_298 : vector<16xf32> to vector<1x1x16xf32>
        tpu.vector_store %arg9[%swap3A_300, %swap3A_301, %swap3A_302], %swap3A_305 {strides = array<i32>} : memref<2x128x128xf32, #tpu.memory_space<vmem>>, vector<1x1x16xf32>,
        %get3A_306 = arith.constant 0 : i32
        %get3A_307 = arith.index_cast %get3A_306 : i32 to index
        %get3A_308 = arith.index_cast %add3A_167 : i32 to index
        %get3A_309 = arith.constant 112 : index
        %get3A_310 = tpu.vector_load %arg9[%get3A_307, %get3A_308, %get3A_309] {strides = array<i32>} : memref<2x128x128xf32, #tpu.memory_space<vmem>>, vector<1x1x16xf32>,
        %get3A_311 = vector.shape_cast %get3A_310 : vector<1x1x16xf32> to vector<16xf32>
        %get3A_312 = arith.constant 0 : i32
        %get3A_313 = arith.index_cast %get3A_312 : i32 to index
        %get3A_314 = arith.index_cast %add3A_167 : i32 to index
        %get3A_315 = arith.constant 112 : index
        %get3A_316 = tpu.vector_load %arg10[%get3A_313, %get3A_314, %get3A_315] {strides = array<i32>} : memref<2x128x128xf32, #tpu.memory_space<vmem>>, vector<1x1x16xf32>,
        %get3A_317 = vector.shape_cast %get3A_316 : vector<1x1x16xf32> to vector<16xf32>
        %add3A_318 = arith.addf %get3A_311, %get3A_317 : vector<16xf32>
        %swap3A_319 = arith.constant 0 : i32
        %swap3A_320 = arith.index_cast %swap3A_319 : i32 to index
        %swap3A_321 = arith.index_cast %add3A_167 : i32 to index
        %swap3A_322 = arith.constant 112 : index
        %swap3A_323 = tpu.vector_load %arg9[%swap3A_320, %swap3A_321, %swap3A_322] {strides = array<i32>} : memref<2x128x128xf32, #tpu.memory_space<vmem>>, vector<1x1x16xf32>,
        %swap3A_324 = vector.shape_cast %swap3A_323 : vector<1x1x16xf32> to vector<16xf32>
        %swap3A_325 = vector.shape_cast %add3A_318 : vector<16xf32> to vector<1x1x16xf32>
        tpu.vector_store %arg9[%swap3A_320, %swap3A_321, %swap3A_322], %swap3A_325 {strides = array<i32>} : memref<2x128x128xf32, #tpu.memory_space<vmem>>, vector<1x1x16xf32>,
      }
      %scan3A_86 = arith.constant 128 : i32
      %mul3A_87 = arith.constant 128 : i32
      %mul3A_88 = arith.muli %add3A_52, %mul3A_87 : i32
      %multiple_of3A_89 = tpu.assume_multiple %mul3A_88, 128 : i32
      %add3A_90 = arith.addi %mul3A_2, %multiple_of3A_89 : i32
      %dma_start3A_91 = arith.constant 0 : i32
      %dma_start3A_92 = arith.constant 0 : i32
      %dma_start3A_93 = arith.constant 0 : i32
      %dma_start3A_94 = tpu.memref_slice %arg9[%dma_start3A_91, %dma_start3A_92, %dma_start3A_93] : memref<2x128x128xf32, #tpu.memory_space<vmem>> -> memref<1x128x128xf32, #tpu.memory_space<vmem>>
      %dma_start3A_95 = tpu.memref_squeeze %dma_start3A_94 : memref<1x128x128xf32, #tpu.memory_space<vmem>> -> memref<128x128xf32, #tpu.memory_space<vmem>>
      %dma_start3A_96 = arith.constant 0 : i32
      %dma_start3A_97 = tpu.memref_slice %arg6[%add3A_90, %dma_start3A_96] : memref<204800x128xf32, #tpu.memory_space<hbm>> -> memref<128x128xf32, #tpu.memory_space<hbm>>
      %dma_start3A_98 = arith.constant 0 : i32
      %dma_start3A_99 = tpu.memref_slice %arg6[%add3A_90, %dma_start3A_98] : memref<204800x128xf32, #tpu.memory_space<hbm>> -> memref<128x128xf32, #tpu.memory_space<hbm>>
      %dma_start3A_100 = arith.constant 0 : i32
      %dma_start3A_101 = arith.constant 0 : i32
      %dma_start3A_102 = tpu.memref_slice %arg9[%dma_start3A_91, %dma_start3A_100, %dma_start3A_101] : memref<2x128x128xf32, #tpu.memory_space<vmem>> -> memref<1x128x128xf32, #tpu.memory_space<vmem>>
      %dma_start3A_103 = tpu.memref_squeeze %dma_start3A_102 : memref<1x128x128xf32, #tpu.memory_space<vmem>> -> memref<128x128xf32, #tpu.memory_space<vmem>>
      tpu.enqueue_dma source(%dma_start3A_103 : memref<128x128xf32, #tpu.memory_space<vmem>>) target(%dma_start3A_99 : memref<128x128xf32, #tpu.memory_space<hbm>>) target_semaphore(%arg13 : memref<!tpu.dma_semaphore, #tpu.memory_space<semaphore_mem>>)
      %mul3A_104 = arith.constant 2 : i32
      %mul3A_105 = arith.muli %add3A_48, %mul3A_104 : i32
      %add3A_106 = arith.constant 1 : i32
      %add3A_107 = arith.addi %mul3A_105, %add3A_106 : i32
      %ge3A_108 = arith.constant 1 : i32
      %ge3A_109 = arith.cmpi sge, %add3A_107, %ge3A_108 : i32
      %convert_element_type3A_110 = arith.extui %ge3A_109 : i1 to i32
      %cond3A_111 = arith.constant 0 : i32
      %cond3A_112 = arith.cmpi ne, %convert_element_type3A_110, %cond3A_111 : i32
      scf.if %cond3A_112 {
        %dma_wait3A_163 = arith.constant 0 : i32
        %dma_wait3A_164 = arith.constant 0 : i32
        %dma_wait3A_165 = arith.constant 0 : i32
        %dma_wait3A_166 = tpu.memref_slice %arg9[%dma_wait3A_163, %dma_wait3A_164, %dma_wait3A_165] : memref<2x128x128xf32, #tpu.memory_space<vmem>> -> memref<1x128x128xf32, #tpu.memory_space<vmem>>
        %dma_wait3A_167 = tpu.memref_squeeze %dma_wait3A_166 : memref<1x128x128xf32, #tpu.memory_space<vmem>> -> memref<128x128xf32, #tpu.memory_space<vmem>>
        %dma_wait3A_168 = arith.constant 0 : i32
        %dma_wait3A_169 = arith.constant 0 : i32
        %dma_wait3A_170 = tpu.memref_slice %arg6[%dma_wait3A_168, %dma_wait3A_169] : memref<204800x128xf32, #tpu.memory_space<hbm>> -> memref<128x128xf32, #tpu.memory_space<hbm>>
        %dma_wait3A_171 = arith.constant 0 : i32
        %dma_wait3A_172 = arith.constant 0 : i32
        %dma_wait3A_173 = tpu.memref_slice %arg6[%dma_wait3A_171, %dma_wait3A_172] : memref<204800x128xf32, #tpu.memory_space<hbm>> -> memref<128x128xf32, #tpu.memory_space<hbm>>
        %dma_wait3A_174 = arith.constant 0 : i32
        %dma_wait3A_175 = arith.constant 0 : i32
        %dma_wait3A_176 = tpu.memref_slice %arg9[%dma_wait3A_163, %dma_wait3A_174, %dma_wait3A_175] : memref<2x128x128xf32, #tpu.memory_space<vmem>> -> memref<1x128x128xf32, #tpu.memory_space<vmem>>
        %dma_wait3A_177 = tpu.memref_squeeze %dma_wait3A_176 : memref<1x128x128xf32, #tpu.memory_space<vmem>> -> memref<128x128xf32, #tpu.memory_space<vmem>>
        tpu.wait_dma2 semaphore(%arg13 : memref<!tpu.dma_semaphore, #tpu.memory_space<semaphore_mem>>) src(%dma_wait3A_177 : memref<128x128xf32, #tpu.memory_space<vmem>>) dst(%dma_wait3A_173 : memref<128x128xf32, #tpu.memory_space<hbm>>)
      } else {
      }
      %add3A_113 = arith.constant 1 : i32
      %add3A_114 = arith.addi %add3A_107, %add3A_113 : i32
      %lt3A_115 = arith.constant 50 : i32
      %lt3A_116 = arith.cmpi slt, %add3A_114, %lt3A_115 : i32
      %convert_element_type3A_117 = arith.extui %lt3A_116 : i1 to i32
      %cond3A_118 = arith.constant 0 : i32
      %cond3A_119 = arith.cmpi ne, %convert_element_type3A_117, %cond3A_118 : i32
      scf.if %cond3A_119 {
        %add3A_163 = arith.constant 1 : i32
        %add3A_164 = arith.addi %add3A_107, %add3A_163 : i32
        %mul3A_165 = arith.constant 128 : i32
        %mul3A_166 = arith.muli %add3A_164, %mul3A_165 : i32
        %multiple_of3A_167 = tpu.assume_multiple %mul3A_166, 128 : i32
        %dma_start3A_168 = arith.constant 0 : i32
        %dma_start3A_169 = arith.constant 0 : i32
        %dma_start3A_170 = arith.constant 0 : i32
        %dma_start3A_171 = tpu.memref_slice %arg9[%dma_start3A_168, %dma_start3A_169, %dma_start3A_170] : memref<2x128x128xf32, #tpu.memory_space<vmem>> -> memref<1x128x128xf32, #tpu.memory_space<vmem>>
        %dma_start3A_172 = tpu.memref_squeeze %dma_start3A_171 : memref<1x128x128xf32, #tpu.memory_space<vmem>> -> memref<128x128xf32, #tpu.memory_space<vmem>>
        %dma_start3A_173 = tpu.memref_slice %arg7[%multiple_of3A_167] : memref<6400xi32, #tpu.memory_space<vmem>> -> memref<128xi32, #tpu.memory_space<vmem>>
        %dma_start3A_174 = arith.constant 0 : i32
        %dma_start3A_175 = arith.constant 0 : i32
        %dma_start3A_176 = tpu.memref_slice %arg4[%dma_start3A_174, %dma_start3A_175] : memref<100000x128xf32, #tpu.memory_space<hbm>> -> memref<100000x128xf32, #tpu.memory_space<hbm>>
        tpu.enqueue_indirect_dma source(%dma_start3A_176 : memref<100000x128xf32, #tpu.memory_space<hbm>>) target(%dma_start3A_172 : memref<128x128xf32, #tpu.memory_space<vmem>>) offsets(%dma_start3A_173 : memref<128xi32, #tpu.memory_space<vmem>>) semaphore(%arg11 : memref<!tpu.dma_semaphore, #tpu.memory_space<semaphore_mem>>)
        %dma_start3A_177 = arith.constant 0 : i32
        %dma_start3A_178 = arith.constant 0 : i32
        %dma_start3A_179 = arith.constant 0 : i32
        %dma_start3A_180 = tpu.memref_slice %arg10[%dma_start3A_177, %dma_start3A_178, %dma_start3A_179] : memref<2x128x128xf32, #tpu.memory_space<vmem>> -> memref<1x128x128xf32, #tpu.memory_space<vmem>>
        %dma_start3A_181 = tpu.memref_squeeze %dma_start3A_180 : memref<1x128x128xf32, #tpu.memory_space<vmem>> -> memref<128x128xf32, #tpu.memory_space<vmem>>
        %dma_start3A_182 = tpu.memref_slice %arg8[%multiple_of3A_167] : memref<6400xi32, #tpu.memory_space<vmem>> -> memref<128xi32, #tpu.memory_space<vmem>>
        %dma_start3A_183 = arith.constant 0 : i32
        %dma_start3A_184 = arith.constant 0 : i32
        %dma_start3A_185 = tpu.memref_slice %arg5[%dma_start3A_183, %dma_start3A_184] : memref<600x128xf32, #tpu.memory_space<hbm>> -> memref<600x128xf32, #tpu.memory_space<hbm>>
        tpu.enqueue_indirect_dma source(%dma_start3A_185 : memref<600x128xf32, #tpu.memory_space<hbm>>) target(%dma_start3A_181 : memref<128x128xf32, #tpu.memory_space<vmem>>) offsets(%dma_start3A_182 : memref<128xi32, #tpu.memory_space<vmem>>) semaphore(%arg11 : memref<!tpu.dma_semaphore, #tpu.memory_space<semaphore_mem>>)
      } else {
      }
      %mul3A_120 = arith.constant 128 : i32
      %mul3A_121 = arith.muli %add3A_107, %mul3A_120 : i32
      %multiple_of3A_122 = tpu.assume_multiple %mul3A_121, 128 : i32
      %dma_wait3A_123 = arith.constant 1 : i32
      %dma_wait3A_124 = arith.constant 0 : i32
      %dma_wait3A_125 = arith.constant 0 : i32
      %dma_wait3A_126 = tpu.memref_slice %arg9[%dma_wait3A_123, %dma_wait3A_124, %dma_wait3A_125] : memref<2x128x128xf32, #tpu.memory_space<vmem>> -> memref<1x128x128xf32, #tpu.memory_space<vmem>>
      %dma_wait3A_127 = tpu.memref_squeeze %dma_wait3A_126 : memref<1x128x128xf32, #tpu.memory_space<vmem>> -> memref<128x128xf32, #tpu.memory_space<vmem>>
      %dma_wait3A_128 = tpu.memref_slice %arg7[%multiple_of3A_122] : memref<6400xi32, #tpu.memory_space<vmem>> -> memref<128xi32, #tpu.memory_space<vmem>>
      %dma_wait3A_129 = arith.constant 0 : i32
      %dma_wait3A_130 = arith.constant 0 : i32
      %dma_wait3A_131 = tpu.memref_slice %arg4[%dma_wait3A_129, %dma_wait3A_130] : memref<100000x128xf32, #tpu.memory_space<hbm>> -> memref<100000x128xf32, #tpu.memory_space<hbm>>
      tpu.wait_indirect_dma semaphore(%arg12 : memref<!tpu.dma_semaphore, #tpu.memory_space<semaphore_mem>>) src(%dma_wait3A_131 : memref<100000x128xf32, #tpu.memory_space<hbm>>) dst(%dma_wait3A_127 : memref<128x128xf32, #tpu.memory_space<vmem>>)
      %dma_wait3A_132 = arith.constant 1 : i32
      %dma_wait3A_133 = arith.constant 0 : i32
      %dma_wait3A_134 = arith.constant 0 : i32
      %dma_wait3A_135 = tpu.memref_slice %arg10[%dma_wait3A_132, %dma_wait3A_133, %dma_wait3A_134] : memref<2x128x128xf32, #tpu.memory_space<vmem>> -> memref<1x128x128xf32, #tpu.memory_space<vmem>>
      %dma_wait3A_136 = tpu.memref_squeeze %dma_wait3A_135 : memref<1x128x128xf32, #tpu.memory_space<vmem>> -> memref<128x128xf32, #tpu.memory_space<vmem>>
      %dma_wait3A_137 = tpu.memref_slice %arg8[%multiple_of3A_122] : memref<6400xi32, #tpu.memory_space<vmem>> -> memref<128xi32, #tpu.memory_space<vmem>>
      %dma_wait3A_138 = arith.constant 0 : i32
      %dma_wait3A_139 = arith.constant 0 : i32
      %dma_wait3A_140 = tpu.memref_slice %arg5[%dma_wait3A_138, %dma_wait3A_139] : memref<600x128xf32, #tpu.memory_space<hbm>> -> memref<600x128xf32, #tpu.memory_space<hbm>>
      tpu.wait_indirect_dma semaphore(%arg12 : memref<!tpu.dma_semaphore, #tpu.memory_space<semaphore_mem>>) src(%dma_wait3A_140 : memref<600x128xf32, #tpu.memory_space<hbm>>) dst(%dma_wait3A_136 : memref<128x128xf32, #tpu.memory_space<vmem>>)
      %scan3A_141 = arith.constant 0 : i32
      %scan3A_142 = arith.constant 128 : i32
      %scan3A_143 = arith.addi %scan3A_141, %scan3A_142 : i32
      %scan3A_144 = arith.constant 1 : i32
      scf.for %scan3A_163 = %scan3A_141 to %scan3A_143 step %scan3A_144  : i32 {
        %mul3A_164 = arith.constant 1 : i32
        %mul3A_165 = arith.muli %scan3A_163, %mul3A_164 : i32
        %add3A_166 = arith.constant 0 : i32
        %add3A_167 = arith.addi %add3A_166, %mul3A_165 : i32
        %get3A = arith.constant 1 : i32
        %get3A_168 = arith.index_cast %get3A : i32 to index
        %get3A_169 = arith.index_cast %add3A_167 : i32 to index
        %get3A_170 = arith.constant 0 : index
        %get3A_171 = tpu.vector_load %arg9[%get3A_168, %get3A_169, %get3A_170] {strides = array<i32>} : memref<2x128x128xf32, #tpu.memory_space<vmem>>, vector<1x1x16xf32>,
        %get3A_172 = vector.shape_cast %get3A_171 : vector<1x1x16xf32> to vector<16xf32>
        %get3A_173 = arith.constant 1 : i32
        %get3A_174 = arith.index_cast %get3A_173 : i32 to index
        %get3A_175 = arith.index_cast %add3A_167 : i32 to index
        %get3A_176 = arith.constant 0 : index
        %get3A_177 = tpu.vector_load %arg10[%get3A_174, %get3A_175, %get3A_176] {strides = array<i32>} : memref<2x128x128xf32, #tpu.memory_space<vmem>>, vector<1x1x16xf32>,
        %get3A_178 = vector.shape_cast %get3A_177 : vector<1x1x16xf32> to vector<16xf32>
        %add3A_179 = arith.addf %get3A_172, %get3A_178 : vector<16xf32>
        %swap3A = arith.constant 1 : i32
        %swap3A_180 = arith.index_cast %swap3A : i32 to index
        %swap3A_181 = arith.index_cast %add3A_167 : i32 to index
        %swap3A_182 = arith.constant 0 : index
        %swap3A_183 = tpu.vector_load %arg9[%swap3A_180, %swap3A_181, %swap3A_182] {strides = array<i32>} : memref<2x128x128xf32, #tpu.memory_space<vmem>>, vector<1x1x16xf32>,
        %swap3A_184 = vector.shape_cast %swap3A_183 : vector<1x1x16xf32> to vector<16xf32>
        %swap3A_185 = vector.shape_cast %add3A_179 : vector<16xf32> to vector<1x1x16xf32>
        tpu.vector_store %arg9[%swap3A_180, %swap3A_181, %swap3A_182], %swap3A_185 {strides = array<i32>} : memref<2x128x128xf32, #tpu.memory_space<vmem>>, vector<1x1x16xf32>,
        %get3A_186 = arith.constant 1 : i32
        %get3A_187 = arith.index_cast %get3A_186 : i32 to index
        %get3A_188 = arith.index_cast %add3A_167 : i32 to index
        %get3A_189 = arith.constant 16 : index
        %get3A_190 = tpu.vector_load %arg9[%get3A_187, %get3A_188, %get3A_189] {strides = array<i32>} : memref<2x128x128xf32, #tpu.memory_space<vmem>>, vector<1x1x16xf32>,
        %get3A_191 = vector.shape_cast %get3A_190 : vector<1x1x16xf32> to vector<16xf32>
        %get3A_192 = arith.constant 1 : i32
        %get3A_193 = arith.index_cast %get3A_192 : i32 to index
        %get3A_194 = arith.index_cast %add3A_167 : i32 to index
        %get3A_195 = arith.constant 16 : index
        %get3A_196 = tpu.vector_load %arg10[%get3A_193, %get3A_194, %get3A_195] {strides = array<i32>} : memref<2x128x128xf32, #tpu.memory_space<vmem>>, vector<1x1x16xf32>,
        %get3A_197 = vector.shape_cast %get3A_196 : vector<1x1x16xf32> to vector<16xf32>
        %add3A_198 = arith.addf %get3A_191, %get3A_197 : vector<16xf32>
        %swap3A_199 = arith.constant 1 : i32
        %swap3A_200 = arith.index_cast %swap3A_199 : i32 to index
        %swap3A_201 = arith.index_cast %add3A_167 : i32 to index
        %swap3A_202 = arith.constant 16 : index
        %swap3A_203 = tpu.vector_load %arg9[%swap3A_200, %swap3A_201, %swap3A_202] {strides = array<i32>} : memref<2x128x128xf32, #tpu.memory_space<vmem>>, vector<1x1x16xf32>,
        %swap3A_204 = vector.shape_cast %swap3A_203 : vector<1x1x16xf32> to vector<16xf32>
        %swap3A_205 = vector.shape_cast %add3A_198 : vector<16xf32> to vector<1x1x16xf32>
        tpu.vector_store %arg9[%swap3A_200, %swap3A_201, %swap3A_202], %swap3A_205 {strides = array<i32>} : memref<2x128x128xf32, #tpu.memory_space<vmem>>, vector<1x1x16xf32>,
        %get3A_206 = arith.constant 1 : i32
        %get3A_207 = arith.index_cast %get3A_206 : i32 to index
        %get3A_208 = arith.index_cast %add3A_167 : i32 to index
        %get3A_209 = arith.constant 32 : index
        %get3A_210 = tpu.vector_load %arg9[%get3A_207, %get3A_208, %get3A_209] {strides = array<i32>} : memref<2x128x128xf32, #tpu.memory_space<vmem>>, vector<1x1x16xf32>,
        %get3A_211 = vector.shape_cast %get3A_210 : vector<1x1x16xf32> to vector<16xf32>
        %get3A_212 = arith.constant 1 : i32
        %get3A_213 = arith.index_cast %get3A_212 : i32 to index
        %get3A_214 = arith.index_cast %add3A_167 : i32 to index
        %get3A_215 = arith.constant 32 : index
        %get3A_216 = tpu.vector_load %arg10[%get3A_213, %get3A_214, %get3A_215] {strides = array<i32>} : memref<2x128x128xf32, #tpu.memory_space<vmem>>, vector<1x1x16xf32>,
        %get3A_217 = vector.shape_cast %get3A_216 : vector<1x1x16xf32> to vector<16xf32>
        %add3A_218 = arith.addf %get3A_211, %get3A_217 : vector<16xf32>
        %swap3A_219 = arith.constant 1 : i32
        %swap3A_220 = arith.index_cast %swap3A_219 : i32 to index
        %swap3A_221 = arith.index_cast %add3A_167 : i32 to index
        %swap3A_222 = arith.constant 32 : index
        %swap3A_223 = tpu.vector_load %arg9[%swap3A_220, %swap3A_221, %swap3A_222] {strides = array<i32>} : memref<2x128x128xf32, #tpu.memory_space<vmem>>, vector<1x1x16xf32>,
        %swap3A_224 = vector.shape_cast %swap3A_223 : vector<1x1x16xf32> to vector<16xf32>
        %swap3A_225 = vector.shape_cast %add3A_218 : vector<16xf32> to vector<1x1x16xf32>
        tpu.vector_store %arg9[%swap3A_220, %swap3A_221, %swap3A_222], %swap3A_225 {strides = array<i32>} : memref<2x128x128xf32, #tpu.memory_space<vmem>>, vector<1x1x16xf32>,
        %get3A_226 = arith.constant 1 : i32
        %get3A_227 = arith.index_cast %get3A_226 : i32 to index
        %get3A_228 = arith.index_cast %add3A_167 : i32 to index
        %get3A_229 = arith.constant 48 : index
        %get3A_230 = tpu.vector_load %arg9[%get3A_227, %get3A_228, %get3A_229] {strides = array<i32>} : memref<2x128x128xf32, #tpu.memory_space<vmem>>, vector<1x1x16xf32>,
        %get3A_231 = vector.shape_cast %get3A_230 : vector<1x1x16xf32> to vector<16xf32>
        %get3A_232 = arith.constant 1 : i32
        %get3A_233 = arith.index_cast %get3A_232 : i32 to index
        %get3A_234 = arith.index_cast %add3A_167 : i32 to index
        %get3A_235 = arith.constant 48 : index
        %get3A_236 = tpu.vector_load %arg10[%get3A_233, %get3A_234, %get3A_235] {strides = array<i32>} : memref<2x128x128xf32, #tpu.memory_space<vmem>>, vector<1x1x16xf32>,
        %get3A_237 = vector.shape_cast %get3A_236 : vector<1x1x16xf32> to vector<16xf32>
        %add3A_238 = arith.addf %get3A_231, %get3A_237 : vector<16xf32>
        %swap3A_239 = arith.constant 1 : i32
        %swap3A_240 = arith.index_cast %swap3A_239 : i32 to index
        %swap3A_241 = arith.index_cast %add3A_167 : i32 to index
        %swap3A_242 = arith.constant 48 : index
        %swap3A_243 = tpu.vector_load %arg9[%swap3A_240, %swap3A_241, %swap3A_242] {strides = array<i32>} : memref<2x128x128xf32, #tpu.memory_space<vmem>>, vector<1x1x16xf32>,
        %swap3A_244 = vector.shape_cast %swap3A_243 : vector<1x1x16xf32> to vector<16xf32>
        %swap3A_245 = vector.shape_cast %add3A_238 : vector<16xf32> to vector<1x1x16xf32>
        tpu.vector_store %arg9[%swap3A_240, %swap3A_241, %swap3A_242], %swap3A_245 {strides = array<i32>} : memref<2x128x128xf32, #tpu.memory_space<vmem>>, vector<1x1x16xf32>,
        %get3A_246 = arith.constant 1 : i32
        %get3A_247 = arith.index_cast %get3A_246 : i32 to index
        %get3A_248 = arith.index_cast %add3A_167 : i32 to index
        %get3A_249 = arith.constant 64 : index
        %get3A_250 = tpu.vector_load %arg9[%get3A_247, %get3A_248, %get3A_249] {strides = array<i32>} : memref<2x128x128xf32, #tpu.memory_space<vmem>>, vector<1x1x16xf32>,
        %get3A_251 = vector.shape_cast %get3A_250 : vector<1x1x16xf32> to vector<16xf32>
        %get3A_252 = arith.constant 1 : i32
        %get3A_253 = arith.index_cast %get3A_252 : i32 to index
        %get3A_254 = arith.index_cast %add3A_167 : i32 to index
        %get3A_255 = arith.constant 64 : index
        %get3A_256 = tpu.vector_load %arg10[%get3A_253, %get3A_254, %get3A_255] {strides = array<i32>} : memref<2x128x128xf32, #tpu.memory_space<vmem>>, vector<1x1x16xf32>,
        %get3A_257 = vector.shape_cast %get3A_256 : vector<1x1x16xf32> to vector<16xf32>
        %add3A_258 = arith.addf %get3A_251, %get3A_257 : vector<16xf32>
        %swap3A_259 = arith.constant 1 : i32
        %swap3A_260 = arith.index_cast %swap3A_259 : i32 to index
        %swap3A_261 = arith.index_cast %add3A_167 : i32 to index
        %swap3A_262 = arith.constant 64 : index
        %swap3A_263 = tpu.vector_load %arg9[%swap3A_260, %swap3A_261, %swap3A_262] {strides = array<i32>} : memref<2x128x128xf32, #tpu.memory_space<vmem>>, vector<1x1x16xf32>,
        %swap3A_264 = vector.shape_cast %swap3A_263 : vector<1x1x16xf32> to vector<16xf32>
        %swap3A_265 = vector.shape_cast %add3A_258 : vector<16xf32> to vector<1x1x16xf32>
        tpu.vector_store %arg9[%swap3A_260, %swap3A_261, %swap3A_262], %swap3A_265 {strides = array<i32>} : memref<2x128x128xf32, #tpu.memory_space<vmem>>, vector<1x1x16xf32>,
        %get3A_266 = arith.constant 1 : i32
        %get3A_267 = arith.index_cast %get3A_266 : i32 to index
        %get3A_268 = arith.index_cast %add3A_167 : i32 to index
        %get3A_269 = arith.constant 80 : index
        %get3A_270 = tpu.vector_load %arg9[%get3A_267, %get3A_268, %get3A_269] {strides = array<i32>} : memref<2x128x128xf32, #tpu.memory_space<vmem>>, vector<1x1x16xf32>,
        %get3A_271 = vector.shape_cast %get3A_270 : vector<1x1x16xf32> to vector<16xf32>
        %get3A_272 = arith.constant 1 : i32
        %get3A_273 = arith.index_cast %get3A_272 : i32 to index
        %get3A_274 = arith.index_cast %add3A_167 : i32 to index
        %get3A_275 = arith.constant 80 : index
        %get3A_276 = tpu.vector_load %arg10[%get3A_273, %get3A_274, %get3A_275] {strides = array<i32>} : memref<2x128x128xf32, #tpu.memory_space<vmem>>, vector<1x1x16xf32>,
        %get3A_277 = vector.shape_cast %get3A_276 : vector<1x1x16xf32> to vector<16xf32>
        %add3A_278 = arith.addf %get3A_271, %get3A_277 : vector<16xf32>
        %swap3A_279 = arith.constant 1 : i32
        %swap3A_280 = arith.index_cast %swap3A_279 : i32 to index
        %swap3A_281 = arith.index_cast %add3A_167 : i32 to index
        %swap3A_282 = arith.constant 80 : index
        %swap3A_283 = tpu.vector_load %arg9[%swap3A_280, %swap3A_281, %swap3A_282] {strides = array<i32>} : memref<2x128x128xf32, #tpu.memory_space<vmem>>, vector<1x1x16xf32>,
        %swap3A_284 = vector.shape_cast %swap3A_283 : vector<1x1x16xf32> to vector<16xf32>
        %swap3A_285 = vector.shape_cast %add3A_278 : vector<16xf32> to vector<1x1x16xf32>
        tpu.vector_store %arg9[%swap3A_280, %swap3A_281, %swap3A_282], %swap3A_285 {strides = array<i32>} : memref<2x128x128xf32, #tpu.memory_space<vmem>>, vector<1x1x16xf32>,
        %get3A_286 = arith.constant 1 : i32
        %get3A_287 = arith.index_cast %get3A_286 : i32 to index
        %get3A_288 = arith.index_cast %add3A_167 : i32 to index
        %get3A_289 = arith.constant 96 : index
        %get3A_290 = tpu.vector_load %arg9[%get3A_287, %get3A_288, %get3A_289] {strides = array<i32>} : memref<2x128x128xf32, #tpu.memory_space<vmem>>, vector<1x1x16xf32>,
        %get3A_291 = vector.shape_cast %get3A_290 : vector<1x1x16xf32> to vector<16xf32>
        %get3A_292 = arith.constant 1 : i32
        %get3A_293 = arith.index_cast %get3A_292 : i32 to index
        %get3A_294 = arith.index_cast %add3A_167 : i32 to index
        %get3A_295 = arith.constant 96 : index
        %get3A_296 = tpu.vector_load %arg10[%get3A_293, %get3A_294, %get3A_295] {strides = array<i32>} : memref<2x128x128xf32, #tpu.memory_space<vmem>>, vector<1x1x16xf32>,
        %get3A_297 = vector.shape_cast %get3A_296 : vector<1x1x16xf32> to vector<16xf32>
        %add3A_298 = arith.addf %get3A_291, %get3A_297 : vector<16xf32>
        %swap3A_299 = arith.constant 1 : i32
        %swap3A_300 = arith.index_cast %swap3A_299 : i32 to index
        %swap3A_301 = arith.index_cast %add3A_167 : i32 to index
        %swap3A_302 = arith.constant 96 : index
        %swap3A_303 = tpu.vector_load %arg9[%swap3A_300, %swap3A_301, %swap3A_302] {strides = array<i32>} : memref<2x128x128xf32, #tpu.memory_space<vmem>>, vector<1x1x16xf32>,
        %swap3A_304 = vector.shape_cast %swap3A_303 : vector<1x1x16xf32> to vector<16xf32>
        %swap3A_305 = vector.shape_cast %add3A_298 : vector<16xf32> to vector<1x1x16xf32>
        tpu.vector_store %arg9[%swap3A_300, %swap3A_301, %swap3A_302], %swap3A_305 {strides = array<i32>} : memref<2x128x128xf32, #tpu.memory_space<vmem>>, vector<1x1x16xf32>,
        %get3A_306 = arith.constant 1 : i32
        %get3A_307 = arith.index_cast %get3A_306 : i32 to index
        %get3A_308 = arith.index_cast %add3A_167 : i32 to index
        %get3A_309 = arith.constant 112 : index
        %get3A_310 = tpu.vector_load %arg9[%get3A_307, %get3A_308, %get3A_309] {strides = array<i32>} : memref<2x128x128xf32, #tpu.memory_space<vmem>>, vector<1x1x16xf32>,
        %get3A_311 = vector.shape_cast %get3A_310 : vector<1x1x16xf32> to vector<16xf32>
        %get3A_312 = arith.constant 1 : i32
        %get3A_313 = arith.index_cast %get3A_312 : i32 to index
        %get3A_314 = arith.index_cast %add3A_167 : i32 to index
        %get3A_315 = arith.constant 112 : index
        %get3A_316 = tpu.vector_load %arg10[%get3A_313, %get3A_314, %get3A_315] {strides = array<i32>} : memref<2x128x128xf32, #tpu.memory_space<vmem>>, vector<1x1x16xf32>,
        %get3A_317 = vector.shape_cast %get3A_316 : vector<1x1x16xf32> to vector<16xf32>
        %add3A_318 = arith.addf %get3A_311, %get3A_317 : vector<16xf32>
        %swap3A_319 = arith.constant 1 : i32
        %swap3A_320 = arith.index_cast %swap3A_319 : i32 to index
        %swap3A_321 = arith.index_cast %add3A_167 : i32 to index
        %swap3A_322 = arith.constant 112 : index
        %swap3A_323 = tpu.vector_load %arg9[%swap3A_320, %swap3A_321, %swap3A_322] {strides = array<i32>} : memref<2x128x128xf32, #tpu.memory_space<vmem>>, vector<1x1x16xf32>,
        %swap3A_324 = vector.shape_cast %swap3A_323 : vector<1x1x16xf32> to vector<16xf32>
        %swap3A_325 = vector.shape_cast %add3A_318 : vector<16xf32> to vector<1x1x16xf32>
        tpu.vector_store %arg9[%swap3A_320, %swap3A_321, %swap3A_322], %swap3A_325 {strides = array<i32>} : memref<2x128x128xf32, #tpu.memory_space<vmem>>, vector<1x1x16xf32>,
      }
      %scan3A_145 = arith.constant 128 : i32
      %mul3A_146 = arith.constant 128 : i32
      %mul3A_147 = arith.muli %add3A_107, %mul3A_146 : i32
      %multiple_of3A_148 = tpu.assume_multiple %mul3A_147, 128 : i32
      %add3A_149 = arith.addi %mul3A_2, %multiple_of3A_148 : i32
      %dma_start3A_150 = arith.constant 1 : i32
      %dma_start3A_151 = arith.constant 0 : i32
      %dma_start3A_152 = arith.constant 0 : i32
      %dma_start3A_153 = tpu.memref_slice %arg9[%dma_start3A_150, %dma_start3A_151, %dma_start3A_152] : memref<2x128x128xf32, #tpu.memory_space<vmem>> -> memref<1x128x128xf32, #tpu.memory_space<vmem>>
      %dma_start3A_154 = tpu.memref_squeeze %dma_start3A_153 : memref<1x128x128xf32, #tpu.memory_space<vmem>> -> memref<128x128xf32, #tpu.memory_space<vmem>>
      %dma_start3A_155 = arith.constant 0 : i32
      %dma_start3A_156 = tpu.memref_slice %arg6[%add3A_149, %dma_start3A_155] : memref<204800x128xf32, #tpu.memory_space<hbm>> -> memref<128x128xf32, #tpu.memory_space<hbm>>
      %dma_start3A_157 = arith.constant 0 : i32
      %dma_start3A_158 = tpu.memref_slice %arg6[%add3A_149, %dma_start3A_157] : memref<204800x128xf32, #tpu.memory_space<hbm>> -> memref<128x128xf32, #tpu.memory_space<hbm>>
      %dma_start3A_159 = arith.constant 0 : i32
      %dma_start3A_160 = arith.constant 0 : i32
      %dma_start3A_161 = tpu.memref_slice %arg9[%dma_start3A_150, %dma_start3A_159, %dma_start3A_160] : memref<2x128x128xf32, #tpu.memory_space<vmem>> -> memref<1x128x128xf32, #tpu.memory_space<vmem>>
      %dma_start3A_162 = tpu.memref_squeeze %dma_start3A_161 : memref<1x128x128xf32, #tpu.memory_space<vmem>> -> memref<128x128xf32, #tpu.memory_space<vmem>>
      tpu.enqueue_dma source(%dma_start3A_162 : memref<128x128xf32, #tpu.memory_space<vmem>>) target(%dma_start3A_158 : memref<128x128xf32, #tpu.memory_space<hbm>>) target_semaphore(%arg14 : memref<!tpu.dma_semaphore, #tpu.memory_space<semaphore_mem>>)
    }
    %scan3A_29 = arith.constant 25 : i32
    %dma_wait3A = arith.constant 1 : i32
    %dma_wait3A_30 = arith.constant 0 : i32
    %dma_wait3A_31 = arith.constant 0 : i32
    %dma_wait3A_32 = tpu.memref_slice %arg9[%dma_wait3A, %dma_wait3A_30, %dma_wait3A_31] : memref<2x128x128xf32, #tpu.memory_space<vmem>> -> memref<1x128x128xf32, #tpu.memory_space<vmem>>
    %dma_wait3A_33 = tpu.memref_squeeze %dma_wait3A_32 : memref<1x128x128xf32, #tpu.memory_space<vmem>> -> memref<128x128xf32, #tpu.memory_space<vmem>>
    %dma_wait3A_34 = arith.constant 0 : i32
    %dma_wait3A_35 = arith.constant 0 : i32
    %dma_wait3A_36 = tpu.memref_slice %arg6[%dma_wait3A_34, %dma_wait3A_35] : memref<204800x128xf32, #tpu.memory_space<hbm>> -> memref<128x128xf32, #tpu.memory_space<hbm>>
    %dma_wait3A_37 = arith.constant 0 : i32
    %dma_wait3A_38 = arith.constant 0 : i32
    %dma_wait3A_39 = tpu.memref_slice %arg6[%dma_wait3A_37, %dma_wait3A_38] : memref<204800x128xf32, #tpu.memory_space<hbm>> -> memref<128x128xf32, #tpu.memory_space<hbm>>
    %dma_wait3A_40 = arith.constant 0 : i32
    %dma_wait3A_41 = arith.constant 0 : i32
    %dma_wait3A_42 = tpu.memref_slice %arg9[%dma_wait3A, %dma_wait3A_40, %dma_wait3A_41] : memref<2x128x128xf32, #tpu.memory_space<vmem>> -> memref<1x128x128xf32, #tpu.memory_space<vmem>>
    %dma_wait3A_43 = tpu.memref_squeeze %dma_wait3A_42 : memref<1x128x128xf32, #tpu.memory_space<vmem>> -> memref<128x128xf32, #tpu.memory_space<vmem>>
    tpu.wait_dma2 semaphore(%arg14 : memref<!tpu.dma_semaphore, #tpu.memory_space<semaphore_mem>>) src(%dma_wait3A_43 : memref<128x128xf32, #tpu.memory_space<vmem>>) dst(%dma_wait3A_39 : memref<128x128xf32, #tpu.memory_space<hbm>>)
    return
  }
}

module attributes {stable_mosaic.version = 14 : i64} {
  func.func @_comb_body(%arg0: memref<200x128xf32, #tpu.memory_space<vmem>>, %arg1: memref<3x128xf32, #tpu.memory_space<vmem>>, %arg2: memref<3x200x128xf32, #tpu.memory_space<vmem>>) attributes {dimension_semantics = [], scalar_prefetch = 0 : i64, scratch_operands = 0 : i64, tpu.core_type = #tpu.core_type<tc>} {
    %get3A = arith.constant 0 : index
    %get3A_0 = arith.constant 0 : index
    %get3A_1 = vector.load %arg1[%get3A, %get3A_0] : memref<3x128xf32, #tpu.memory_space<vmem>>, vector<3x128xf32>
    %broadcast_in_dim3A = vector.shape_cast %get3A_1 : vector<3x128xf32> to vector<3x1x128xf32>
    %get3A_2 = arith.constant 0 : index
    %get3A_3 = arith.constant 0 : index
    %get3A_4 = vector.load %arg0[%get3A_2, %get3A_3] : memref<200x128xf32, #tpu.memory_space<vmem>>, vector<200x128xf32>
    %broadcast_in_dim3A_5 = vector.shape_cast %get3A_4 : vector<200x128xf32> to vector<1x200x128xf32>
    %add3A = vector.broadcast %broadcast_in_dim3A : vector<3x1x128xf32> to vector<3x200x128xf32>
    %add3A_6 = vector.broadcast %broadcast_in_dim3A_5 : vector<1x200x128xf32> to vector<3x200x128xf32>
    %add3A_7 = arith.addf %add3A, %add3A_6 : vector<3x200x128xf32>
    %swap3A = arith.constant 0 : index
    %swap3A_8 = arith.constant 0 : index
    %swap3A_9 = arith.constant 0 : index
    %swap3A_10 = vector.load %arg2[%swap3A, %swap3A_8, %swap3A_9] : memref<3x200x128xf32, #tpu.memory_space<vmem>>, vector<3x200x128xf32>
    tpu.vector_store %arg2[%swap3A, %swap3A_8, %swap3A_9], %add3A_7 {strides = array<i32>} : memref<3x200x128xf32, #tpu.memory_space<vmem>>, vector<3x200x128xf32>,
    return
  }
}

</mosaic_0001>

<sc_bundles>
// kernel: kernel.4.cloned.1.call-start
scs
__scs_entry_jumppad:
0x0: {  	(pc) =	sbr.rel $0x88, $3  }
0x1: {  	(tag) =	ssettag $0x0;
	lr =	simm.s32 $0x1  }
0x2: {  	[smem:$0x3F9D] =	sst lr;
	_ =	strace $0xD0000000  }
0x3: {  	_ = 	snop  }
0x4: {  	_ = 	snop  }
0x5: {  	_ = 	snop  }
0x6: {  	_ = 	snop  }
0x7: {  	_ = 	snop  }
__scs_overlays_trampoline_lowered:
0x8: {  	[smem:$0x3FAC] =	sst s0  }
0x9: {  	[smem:$0x3FAD] =	sst s1  }
0xa: {  	[smem:$0x3FAE] =	sst s2  }
0xb: {  	[smem:$0x3FAF] =	sst s3  }
0xc: {  	[smem:$0x3FB0] =	sst s4  }
0xd: {  	[smem:$0x3FB1] =	sst s5  }
0xe: {  	[smem:$0x3FB2] =	sst s6  }
0xf: {  	[smem:$0x3FB3] =	sst s7  }
0x10: {  	[smem:$0x3FB4] =	sst s8  }
0x11: {  	[smem:$0x3FB5] =	sst s9;
	s0 =	simm.s32 @!p0 $0x0  }
0x12: {  	s1 =	sld [smem:$0x3F9B];
	s0 =	simm.s32 @p0 $0x1  }
0x13: {  	[smem:$0x3FB6] =	sst s0;
	s0 =	simm.s32 @!p1 $0x0  }
0x14: {  	s2 =	sld [smem:$0x3F9A];
	s0 =	simm.s32 @p1 $0x1  }
0x15: {  	[smem:$0x3FB7] =	sst s0;
	s0 =	simm.s32 @!p2 $0x0  }
0x16: {  	s3 =	sld [smem:$0x3FDB];
	s0 =	simm.s32 @p2 $0x1  }
0x17: {  	s4 =	simm.s32 $0x1BF5;
	[smem:$0x3FB9] =	sst s0  }
0x18: {  	s0 =	sld [smem:$0x3F9C];
	_ =	swait.ge [sflag:s4], $0x0  }
0x19: {  	s7 =	sld [smem:$0x3F9D]  }
0x1a: {  	s8 =	sadd.s32 $0xFFFFE003, lr  }
0x1b: {  	s9 =	sadd.s32 $0xFFFFFEF7, lr;
	s5 =	simm.s32 $0xFFFFFFFF;
	p2 =	slt.u32 s8, $0xFFFFF086  }
0x1c: {  	p1 =	slt.u32 s9, $0xF7A;
	s5 =	simm.s32 @!p2 $0x0  }
0x1d: {  	s5 =	simm.s32 @p1 $0x1;
	p0 =	seq.s32 s7, s2  }
0x1e: {  	s7 =	smul.u32 @!p0 $0xF7A, s2;
	p2 =	seq.s32 @!p0 s5, $0x0  }
0x1f: {  	s9 =	smul.u32 $0xF7A, s1;
	s8 =	simm.s32 @!p0 $0x1BF5;
	p2 =	por !p2, p0  }
0x20: {  	[sflag:s8] =	ssyncset.s32 @!p0 $0xFFFFF086;
	s6 =	sadd.s32 @!p0 s3, s7;
	s7 =	simm.s32 @!p0 $0x108  }
0x21: {  	s3 =	sadd.s32 s3, s9;
	s6 =	sadd.s32 @!p0 $0x88, s6;
	s7 =	simm.s32 @p2 $0x1082  }
0x22: {  	[simem:s7], [sflag:s8] =	dma.local @!p0 [hbm:s6], $0xF7A  }
0x23: {  	s9 =	sor.u32 $0xD0000000, s2;
	s6 =	simm.s32 $0x108;
	_ =	swait.ge @!p0 [sflag:s8], $0x0  }
0x24: {  	s3 =	sadd.s32 $0x88, s3;
	s6 =	simm.s32 @!p1 $0x1082;
	[sflag:s4] =	ssyncset.s32 $0xFFFFF086  }
0x25: {  	[simem:s6], [sflag:s4] =	dma.local [hbm:s3], $0xF7A  }
0x26: {  	[smem:$0x3F9D] =	sst s1;
	(tag) =	ssettag s2;
	_ =	strace s9  }
0x27: {  	s1 =	sld [smem:$0x3FAD]  }
0x28: {  	s2 =	sld [smem:$0x3FAE]  }
0x29: {  	s4 =	sld [smem:$0x3FB0]  }
0x2a: {  	p0 =	seq.s32 s5, $0x0;
	s5 =	sld [smem:$0x3FB1]  }
0x2b: {  	s6 =	sld [smem:$0x3FB2]  }
0x2c: {  	s7 =	sld [smem:$0x3FB3]  }
0x2d: {  	s3 =	simm.s32 $0x108;
	s8 =	sld [smem:$0x3FB4]  }
0x2e: {  	s3 =	simm.s32 @!p0 $0x1082;
	s9 =	sld [smem:$0x3FB5]  }
0x2f: {  	lr =	sadd.s32 s0, s3;
	s0 =	sld [smem:$0x3FAC]  }
0x30: {  	s3 =	sld [smem:$0x3FAF]  }
0x31: {  	[smem:$0x3FB8] =	sst s10  }
0x32: {  	s10 =	sld [smem:$0x3FB6];
	_ =	sdelay $0x3  }
0x33: {  	p0 =	seq.s32 s10, $0x1;
	s10 =	sld [smem:$0x3FB8];
	_ =	sdelay $0x3  }
0x34: {  	[smem:$0x3FB8] =	sst s10  }
0x35: {  	s10 =	sld [smem:$0x3FB7];
	_ =	sdelay $0x3  }
0x36: {  	p1 =	seq.s32 s10, $0x1;
	s10 =	sld [smem:$0x3FB8];
	_ =	sdelay $0x3  }
0x37: {  	[smem:$0x3FB8] =	sst s10  }
0x38: {  	s10 =	sld [smem:$0x3FB9]  }
0x39: {  	_ = 	snop;
	(pc) =	sbr.ind lr, $3  }
0x3a: {  	_ = 	snop  }
0x3b: {  	_ = 	snop  }
0x3c: {  	p2 =	seq.s32 s10, $0x1;
	s10 =	sld [smem:$0x3FB8]  }
0x3d: {  	_ =	shalt  }
0x3e: {  	_ =	shalt  }
0x3f: {  	_ =	shalt  }
0x40: {  	_ =	shalt  }
0x41: {  	_ =	shalt  }
0x42: {  	_ =	shalt  }
0x43: {  	_ =	shalt  }
0x44: {  	_ =	shalt  }
0x45: {  	_ =	shalt  }
0x46: {  	_ =	shalt  }
0x47: {  	_ =	shalt  }
0x48: {  	_ =	shalt  }
0x49: {  	_ =	shalt  }
0x4a: {  	_ =	shalt  }
0x4b: {  	_ =	shalt  }
0x4c: {  	_ =	shalt  }
0x4d: {  	_ =	shalt  }
0x4e: {  	_ =	shalt  }
0x4f: {  	_ =	shalt  }
0x50: {  	_ =	shalt  }
0x51: {  	_ =	shalt  }
0x52: {  	_ =	shalt  }
0x53: {  	_ =	shalt  }
0x54: {  	_ =	shalt  }
0x55: {  	_ =	shalt  }
0x56: {  	_ =	shalt  }
0x57: {  	_ =	shalt  }
0x58: {  	_ =	shalt  }
0x59: {  	_ =	shalt  }
0x5a: {  	_ =	shalt  }
0x5b: {  	_ =	shalt  }
0x5c: {  	_ =	shalt  }
0x5d: {  	_ =	shalt  }
0x5e: {  	_ =	shalt  }
0x5f: {  	_ =	shalt  }
0x60: {  	_ =	shalt  }
0x61: {  	_ =	shalt  }
0x62: {  	_ =	shalt  }
0x63: {  	_ =	shalt  }
0x64: {  	_ =	shalt  }
0x65: {  	_ =	shalt  }
0x66: {  	_ =	shalt  }
0x67: {  	_ =	shalt  }
0x68: {  	_ =	shalt  }
0x69: {  	_ =	shalt  }
0x6a: {  	_ =	shalt  }
0x6b: {  	_ =	shalt  }
0x6c: {  	_ =	shalt  }
0x6d: {  	_ =	shalt  }
0x6e: {  	_ =	shalt  }
0x6f: {  	_ =	shalt  }
0x70: {  	_ =	shalt  }
0x71: {  	_ =	shalt  }
0x72: {  	_ =	shalt  }
0x73: {  	_ =	shalt  }
0x74: {  	_ =	shalt  }
0x75: {  	_ =	shalt  }
0x76: {  	_ =	shalt  }
0x77: {  	_ =	shalt  }
0x78: {  	_ =	shalt  }
0x79: {  	_ =	shalt  }
0x7a: {  	_ =	shalt  }
0x7b: {  	_ =	shalt  }
0x7c: {  	_ =	shalt  }
0x7d: {  	_ =	shalt  }
0x7e: {  	_ =	shalt  }
0x7f: {  	_ =	shalt  }
0x80: {  	_ =	shalt  }
0x81: {  	_ =	shalt  }
0x82: {  	_ =	shalt  }
0x83: {  	_ =	shalt  }
0x84: {  	_ =	shalt  }
0x85: {  	_ =	shalt  }
0x86: {  	_ =	shalt  }
0x87: {  	_ =	shalt  }
.Lfunc_end0:
.L_simem_size_0:
called_computation_lowered:
.L_overlay_start_0:
0x88: {  	s2 =	sld [smem:$0x3FD9]  }
0x89: {  	s3 =	sld [smem:$0x3FFE];
	_ =	sdelay $0x1  }
0x8a: {  	s1 =	srdreg.scid  }
0x8b: {  	s0 =	sand.u32 $0x1, s1  }
0x8c: {  	s17 =	sshll.u32 s0, $0xA;
	s2 =	sadd.s32 s3, s2  }
0x8d: {  	s2 =	sadd.s32 s2, s17  }
0x8e: {  	[smem:$0x3FC4] =	sst s2  }
0x8f: {  	_ = 	snop  }
0x90: {  	s2 =	sld [smem:$0x3FC7]  }
0x91: {  	s18 =	sld [smem:$0x3FD0];
	(tm) =	ssettm $0x1  }
0x92: {  	s4 =	sld [smem:$0x3FFB];
	_ =	sdelay $0x3  }
0x93: {  	_ =	strace s4  }
0x94: {  	s4 =	sld [smem:$0x3FFC];
	_ =	sdelay $0x3  }
0x95: {  	_ =	strace s4  }
0x96: {  	s4 =	sld [smem:$0x3FFD];
	_ =	sdelay $0x3  }
0x97: {  	_ =	strace s4  }
0x98: {  	_ =	strace $0x8FFFFFFF  }
0x99: {  	s19 =	sld [smem:$0x3FDB];
	_ =	sdelay $0x1  }
0x9a: {  	s5 =	simm.s32 $_scs_section_size  }
0x9b: {  	s6 =	simm.s32 $_size__tile_overlayer_lowered;
	s7 =	simm.s32 $_tile_overlayer_lowered  }
0x9c: {  	s22 =	simm.s32 $0x1BFF;
	s21 =	sshll.u32 s7, $0x1;
	s4 =	sadd.s32 s5, s19  }
0x9d: {  	s8 =	simm.s32 $0x0;
	s20 =	sshll.u32 s6, $0x1;
	s6 =	sadd.s32 s21, s4  }
0x9e: {  	[timem:s8], [sflag:s22] =	dma.local [hbm:s6], s20  }
0x9f: {  	_ =	swait.ge [sflag:s22], s20  }
0xa0: {  	s5 =	ssub.s32 $0x0, s20;
	[sflag:s22] =	ssyncset.done $0x0  }
0xa1: {  	[sflag:s22] =	ssyncadd.s32 s5;
	_ =	sdelay $0x1  }
0xa2: {  	s23 =	simm.s32 $0x1B8B  }
0xa3: {  	_ =	swait.ge [sflag:s23], $0x1  }
0xa4: {  	[sflag:s23] =	ssyncset.done $0x0  }
0xa5: {  	s25 =	simm.s32 $0x1B8E;
	s24 =	sld [smem:$0x3FFE];
	[sflag:s23] =	ssyncadd.s32 $0xFFFFFFFF  }
0xa6: {  	s26 =	simm.s32 $execute0_lowered;
	[smem:$0x3FD2] =	sst s25  }
0xa7: {  	s6 =	sshll.u32 s26, $0x1;
	_ =	strace $0x80000046;
	[dreg:$0x1] =	wrdreg $0xFFFFFFFF  }
0xa8: {  	s28 =	simm.s32 $_size_execute0_lowered;
	s4 =	sadd.s32 s4, s6;
	[dreg:$0x0] =	wrdreg $0x0  }
0xa9: {  	s6 =	sshll.u32 s28, $0x1;
	[dreg:$0x2] =	wrdreg s4  }
0xaa: {  	[dreg:$0x3] =	wrdreg s6  }
0xab: {  	[dreg:$0x4] =	wrdreg $0xC0  }
0xac: {  	_ =	task [dreg:s8], $0x5FFFF  }
0xad: {  	[dreg:$0x1] =	wrdreg $0xFFFFFFFF  }
0xae: {  	[dreg:$0x0] =	wrdreg $0x60  }
0xaf: {  	[dreg:$0x2] =	wrdreg s24  }
0xb0: {  	[dreg:$0x3] =	wrdreg s2  }
0xb1: {  	[dreg:$0x4] =	wrdreg s18  }
0xb2: {  	[dreg:$0x5] =	wrdreg $0x9  }
0xb3: {  	_ =	task.clear_ibuf [dreg:s8], $0x6FFFF;
	_ =	strace $0x90000046  }
0xb4: {  	s29 =	simm.s32 $0x9;
	_ =	strace $0x80000048  }
0xb5: {  	_ =	swait.ge [sflag:s29], $0x1  }
0xb6: {  	[sflag:s29] =	ssyncadd.s32 $0xFFFFFFFF  }
0xb7: {  	_ =	strace $0x90000048  }
0xb8: {  	_ =	sfence  }
0xb9: {  	s30 =	sld [smem:$0x0];
	_ =	sdelay $0x2  }
0xba: {  	s31 =	sshll.u32 s1, $0xD;
	s1 =	sshrl.u32 s1, $0x2  }
0xbb: {  	s3 =	sand.u32 $0x4000, s31;
	s1 =	sadd.s32 s1, s30  }
0xbc: {  	s0 =	sor.u32 s3, s0;
	s1 =	sshll.u32 s1, $0x11  }
0xbd: {  	s0 =	sor.u32 s1, s0  }
0xbe: {  	s0 =	sadd.s32 $0x8F2B, s0  }
0xbf: {  	[sflag:s0] =	ssyncadd.remote.s32 $0x1  }
0xc0: {  	_ =	sfence.sel $0xFFFF  }
0xc1: {  	[dreg:$0x0] =	wrdreg $0xFFFFFFFF;
	(pc) =	sbr.abs _section_cstart, $3  }
0xc2: {  	[dreg:$0x1] =	wrdreg $0xFFFFFFFF  }
0xc3: {  	_ =	task.clear_ibuf [dreg:s8], $0x2FFFF;
	_ =	strace $0x9FFFFFFF  }
0xc4: {  	(tm) =	ssettm $0x7FFFFFFF  }
0xc5: {  	_ =	shalt  }
tec
execute0_lowered:
.L_overlay_start_1:
0x0: {  	(tag) =	ssettag $0x1  }
0x1: {  	s5 =	rddreg [dreg:$0x0];
	s1 =	srdreg.scid  }
0x2: {  	s0 =	stileid.u32;
	s2 =	rddreg [dreg:$0x1]  }
0x3: {  	s3 =	rddreg [dreg:$0x2];
	s4 =	simm.s32 $0x0;
	s10 =	simm.s32 $0x5  }
0x4: {  	s11 =	simm.s32 $0x80;
	s12 =	simm.s32 $0x3200;
	s13 =	simm.s32 $0x1900  }
0x5: {  	s14 =	simm.s32 $0xB200;
	s15 =	simm.s32 $0x7200;
	s16 =	simm.s32 $0xF200  }
0x6: {  	s17 =	simm.s32 $0x1;
	s18 =	simm.s32 $0x3;
	s19 =	simm.s32 $0x2  }
0x7: {  	s20 =	simm.s32 $0x4;
	s6 =	sand.u32 $0x1, s1;
	s31 =	sshll.u32 s0, $0x1  }
0x8: {  	s21 =	simm.s32 $0x0;
	s1 =	rddreg [dreg:$0x3];
	s8 =	sor.u32 s6, s31  }
0x9: {  	[smem:$0x7FF] =	sst s4;
	s6 =	ssub.s32 $0x2, s6;
	s7 =	smul.u32 $0x320, s8  }
0xa: {  	_ =	strace $0x80000047;
	s9 =	sshrl.u32 s6, $0x1;
	s8 =	smul.u32 $0xC8000, s8  }
0xb: {  	s9 =	ssub.s32 s6, s9;
	s7 =	sadd.s32 s7, s5;
	s5 =	sadd.s32 $0xD200, s5  }
0xc: {  	v0 =	vlaneseq.u32;
	s9 =	smax.u32 s9, $0x1;
	s6 =	sadd.s32 $0xA00, s7;
	s7 =	sadd.s32 $0x6E00, s7  }
.LBB2_1:
0xd: {  	[tilespmem:s4], [sflag:$0x5] =	stream.linear.gather [hbm4b:s6+s4], $0x1900, $0x38;
	[tilespmem:$0x13200] =	vst v63  }
0xe: {  	_ =	swait.ge [sflag:s10], $0x1900  }
0xf: {  	[sflag:s10] =	ssyncset.done $0x0  }
0x10: {  	[sflag:s10] =	ssyncadd.s32 $0xFFFFE700  }
0x11: {  	[tilespmem:s13], [sflag:$0x5] =	stream.linear.gather [hbm4b:s7+s4], $0x1900, $0x38;
	[tilespmem:$0x13200] =	vst v63  }
0x12: {  	_ =	swait.ge [sflag:s10], $0x1900  }
0x13: {  	[sflag:s10] =	ssyncset.done $0x0  }
0x14: {  	[sflag:s10] =	ssyncadd.s32 $0xFFFFE700  }
0x15: {  	v1 =	vor.u32 s4, v0;
	s23 =	simm.s32 $0x10;
	s22 =	simm.s32 $0x1900;
	v2 =	vld [tilespmem:s13+$0x0]  }
.LBB2_2:
0x16: {  	p0 =	sne.s32 s23, $0x18F0;
	v3 =	vmulhi.u32 $0x51EB851F, v1;
	_ =	sdelay $0x1  }
0x17: {  	v3 =	vshrl.u32 v3, $0x6  }
0x18: {  	v3 =	vmul.u32 $0xC8, v3  }
.Ltmp0:
0x19: {  	v2 =	vmul.u32 $0xC8, v2;
	(pc) =	sbr.rel @p0 .LBB2_2-.Ltmp0, $4  }
0x1a: {  	v1 =	vsub.s32 v1, v3  }
0x1b: {  	v1 =	vadd.s32 v1, v2  }
0x1c: {  	[tilespmem:s22+$0x0] =	vst v1;
	s22 =	sadd.s32 $0x10, s22  }
0x1d: {  	v1 =	vor.u32 s23, v0;
	s23 =	sadd.s32 $0x10, s23;
	v2 =	vld [tilespmem:s22+$0x0]  }
0x1e: {  	v3 =	vmulhi.u32 $0x51EB851F, v1;
	_ =	sdelay $0x1  }
0x1f: {  	v3 =	vshrl.u32 v3, $0x6  }
0x20: {  	v3 =	vmul.u32 $0xC8, v3  }
0x21: {  	v2 =	vmul.u32 $0xC8, v2  }
0x22: {  	v1 =	vsub.s32 v1, v3  }
0x23: {  	v1 =	vadd.s32 v1, v2  }
0x24: {  	[tilespmem:s22+$0x0] =	vst v1;
	s22 =	simm.s32 $0x0  }
0x25: {  	[tilespmem:s12], [sflag:$0x1] =	stream.indirect.gather [hbm4b:s2+s11], $0x80, s22, s11, $0xb8;
	[tilespmem:$0x13200] =	vst v63  }
0x26: {  	_ = 	snop  }
0x27: {  	[tilespmem:s14], [sflag:$0x1] =	stream.indirect.gather [hbm4b:s5+s11], $0x80, s13, s11, $0xb8;
	[tilespmem:$0x13200] =	vst v63  }
.LBB2_4:
0x28: {  	p0 =	seq.s32 s22, $0x0  }
0x29: {  	s24 =	simm.s32 @!p0 $0x4  }
0x2a: {  	s23 =	sshll.u32 s22, $0x1;
	_ =	swait.ge @!p0 [sflag:s24], $0x4000  }
0x2b: {  	s23 =	sor.u32 $0x1, s23;
	[sflag:s24] =	ssyncset.done @!p0 $0x0  }
0x2c: {  	s31 =	sshll.u32 s23, $0x7;
	[sflag:s24] =	ssyncadd.s32 @!p0 $0xFFFFC000  }
0x2d: {  	[tilespmem:s15], [sflag:$0x2] =	stream.indirect.gather [hbm4b:s2+s11], $0x80, s31, s11, $0xb8;
	[tilespmem:$0x13200] =	vst v63  }
0x2e: {  	s24 =	sadd.s32 $0x1900, s31  }
0x2f: {  	[tilespmem:s16], [sflag:$0x2] =	stream.indirect.gather [hbm4b:s5+s11], $0x80, s24, s11, $0xb8;
	[tilespmem:$0x13200] =	vst v63  }
0x30: {  	_ =	swait.ge [sflag:s17], $0x4000  }
0x31: {  	[sflag:s17] =	ssyncset.done $0x0  }
0x32: {  	[sflag:s17] =	ssyncadd.s32 $0xFFFFC000  }
0x33: {  	_ =	swait.ge [sflag:s17], $0x4000  }
0x34: {  	[sflag:s17] =	ssyncset.done $0x0  }
0x35: {  	s24 =	simm.s32 $0x0;
	[sflag:s17] =	ssyncadd.s32 $0xFFFFC000  }
0x36: {  	v8 =	vld [tilespmem:s24+$0xB200]  }
0x37: {  	v12 =	vld [tilespmem:s24+$0xB210]  }
0x38: {  	v6 =	vld [tilespmem:s24+$0xB220]  }
0x39: {  	v5 =	vld [tilespmem:s24+$0xB230]  }
0x3a: {  	v4 =	vld [tilespmem:s24+$0xB240]  }
0x3b: {  	v3 =	vld [tilespmem:s24+$0xB250]  }
0x3c: {  	v2 =	vld [tilespmem:s24+$0xB260]  }
0x3d: {  	v1 =	vld [tilespmem:s24+$0xB270]  }
0x3e: {  	v13 =	vld [tilespmem:s24+$0x3200]  }
0x3f: {  	v14 =	vld [tilespmem:s24+$0x3210]  }
0x40: {  	v11 =	vld [tilespmem:s24+$0x3220]  }
0x41: {  	v10 =	vld [tilespmem:s24+$0x3230]  }
0x42: {  	v9 =	vld [tilespmem:s24+$0x3240]  }
0x43: {  	v7 =	vld [tilespmem:s24+$0x3250];
	v13 =	vadd.f32 v8, v13  }
0x44: {  	s25 =	simm.s32 $0x200;
	v12 =	vadd.f32 v12, v14;
	v8 =	vld [tilespmem:s24+$0x3260]  }
.LBB2_5:
0x45: {  	s26 =	sshra.s32 s25, $0x2;
	p0 =	sne.s32 s25, $0xFE00;
	[tilespmem:s24+$0x3200] =	vst v13;
	v6 =	vadd.f32 v6, v11;
	v11 =	vld [tilespmem:s24+$0x3270]  }
0x46: {  	v13 =	vld [tilespmem:s26+$0xB200];
	[tilespmem:s24+$0x3210] =	vst v12;
	v5 =	vadd.f32 v5, v10  }
0x47: {  	v12 =	vld [tilespmem:s26+$0xB210];
	[tilespmem:s24+$0x3220] =	vst v6;
	v4 =	vadd.f32 v4, v9  }
0x48: {  	v6 =	vld [tilespmem:s26+$0xB220];
	[tilespmem:s24+$0x3230] =	vst v5;
	v3 =	vadd.f32 v3, v7  }
0x49: {  	v5 =	vld [tilespmem:s26+$0xB230];
	[tilespmem:s24+$0x3240] =	vst v4;
	v2 =	vadd.f32 v2, v8  }
0x4a: {  	v4 =	vld [tilespmem:s26+$0xB240];
	[tilespmem:s24+$0x3250] =	vst v3;
	v1 =	vadd.f32 v1, v11  }
0x4b: {  	v3 =	vld [tilespmem:s26+$0xB250];
	[tilespmem:s24+$0x3260] =	vst v2  }
0x4c: {  	v2 =	vld [tilespmem:s26+$0xB260];
	[tilespmem:s24+$0x3270] =	vst v1;
	s24 =	smov.u32 s26  }
0x4d: {  	v1 =	vld [tilespmem:s24+$0xB270]  }
0x4e: {  	v7 =	vld [tilespmem:s24+$0x3200]  }
0x4f: {  	v8 =	vld [tilespmem:s24+$0x3210]  }
.Ltmp1:
0x50: {  	v11 =	vld [tilespmem:s24+$0x3220];
	(pc) =	sbr.rel @p0 .LBB2_5-.Ltmp1, $4  }
0x51: {  	v10 =	vld [tilespmem:s24+$0x3230]  }
0x52: {  	v9 =	vld [tilespmem:s24+$0x3240]  }
0x53: {  	v13 =	vadd.f32 v13, v7;
	v7 =	vld [tilespmem:s24+$0x3250]  }
0x54: {  	s25 =	sadd.s32 $0x200, s25;
	v12 =	vadd.f32 v12, v8;
	v8 =	vld [tilespmem:s24+$0x3260]  }
0x55: {  	[tilespmem:s24+$0x3200] =	vst v13;
	v6 =	vadd.f32 v6, v11;
	v11 =	vld [tilespmem:s24+$0x3270]  }
0x56: {  	[tilespmem:s24+$0x3210] =	vst v12;
	v5 =	vadd.f32 v5, v10  }
0x57: {  	[tilespmem:s24+$0x3220] =	vst v6;
	v4 =	vadd.f32 v4, v9  }
0x58: {  	[tilespmem:s24+$0x3230] =	vst v5;
	v3 =	vadd.f32 v3, v7  }
0x59: {  	s25 =	sshll.u32 s22, $0xF;
	[tilespmem:s24+$0x3240] =	vst v4;
	v2 =	vadd.f32 v2, v8  }
0x5a: {  	s25 =	sadd.s32 s8, s25;
	[tilespmem:s24+$0x3250] =	vst v3;
	v1 =	vadd.f32 v1, v11  }
0x5b: {  	s25 =	sshrl.u32 s25, $0x3;
	[tilespmem:s24+$0x3260] =	vst v2  }
0x5c: {  	s31 =	sadd.s32 s3, s25;
	[tilespmem:s24+$0x3270] =	vst v1  }
0x5d: {  	[hbm4b:s31+s4] =	stream.linear.scatter [tilespmem:s12], [sflag:$0x3], $0x4000, $0x38;
	[tilespmem:$0x13200] =	vst v63  }
0x5e: {  	p0 =	seq.s32 s22, $0x18;
	_ =	swait.ge [sflag:s18], $0x4000  }
0x5f: {  	s26 =	simm.s32 @!p0 $0x80;
	s24 =	sshll.u32 @!p0 s22, $0x8;
	[sflag:s18] =	ssyncset.done $0x0  }
0x60: {  	s28 =	simm.s32 @!p0 $0x3200;
	s25 =	sadd.s32 @!p0 $0x100, s24;
	[sflag:s18] =	ssyncadd.s32 $0xFFFFC000  }
0x61: {  	[tilespmem:s28], [sflag:$0x1] =	stream.indirect.gather @!p0 [hbm4b:s2+s26], $0x80, s25, s26, $0xb8;
	[tilespmem:$0x13200] =	vst v63  }
0x62: {  	s24 =	sadd.s32 @!p0 $0x1A00, s24;
	s25 =	simm.s32 @!p0 $0xB200  }
0x63: {  	[tilespmem:s25], [sflag:$0x1] =	stream.indirect.gather @!p0 [hbm4b:s5+s26], $0x80, s24, s26, $0xb8;
	[tilespmem:$0x13200] =	vst v63  }
0x64: {  	_ =	swait.ge [sflag:s19], $0x4000  }
0x65: {  	[sflag:s19] =	ssyncset.done $0x0  }
0x66: {  	[sflag:s19] =	ssyncadd.s32 $0xFFFFC000  }
0x67: {  	_ =	swait.ge [sflag:s19], $0x4000  }
0x68: {  	[sflag:s19] =	ssyncset.done $0x0  }
0x69: {  	s24 =	simm.s32 $0x0;
	[sflag:s19] =	ssyncadd.s32 $0xFFFFC000  }
0x6a: {  	v8 =	vld [tilespmem:s24+$0xF200]  }
0x6b: {  	v12 =	vld [tilespmem:s24+$0xF210]  }
0x6c: {  	v6 =	vld [tilespmem:s24+$0xF220]  }
0x6d: {  	v5 =	vld [tilespmem:s24+$0xF230]  }
0x6e: {  	v4 =	vld [tilespmem:s24+$0xF240]  }
0x6f: {  	v3 =	vld [tilespmem:s24+$0xF250]  }
0x70: {  	v2 =	vld [tilespmem:s24+$0xF260]  }
0x71: {  	v1 =	vld [tilespmem:s24+$0xF270]  }
0x72: {  	v13 =	vld [tilespmem:s24+$0x7200]  }
0x73: {  	v14 =	vld [tilespmem:s24+$0x7210]  }
0x74: {  	v11 =	vld [tilespmem:s24+$0x7220]  }
0x75: {  	v10 =	vld [tilespmem:s24+$0x7230]  }
0x76: {  	v9 =	vld [tilespmem:s24+$0x7240]  }
0x77: {  	v7 =	vld [tilespmem:s24+$0x7250];
	v13 =	vadd.f32 v8, v13  }
0x78: {  	s25 =	simm.s32 $0x200;
	v12 =	vadd.f32 v12, v14;
	v8 =	vld [tilespmem:s24+$0x7260]  }
.LBB2_7:
0x79: {  	s26 =	sshra.s32 s25, $0x2;
	p0 =	sne.s32 s25, $0xFE00;
	[tilespmem:s24+$0x7200] =	vst v13;
	v6 =	vadd.f32 v6, v11;
	v11 =	vld [tilespmem:s24+$0x7270]  }
0x7a: {  	v13 =	vld [tilespmem:s26+$0xF200];
	[tilespmem:s24+$0x7210] =	vst v12;
	v5 =	vadd.f32 v5, v10  }
0x7b: {  	v12 =	vld [tilespmem:s26+$0xF210];
	[tilespmem:s24+$0x7220] =	vst v6;
	v4 =	vadd.f32 v4, v9  }
0x7c: {  	v6 =	vld [tilespmem:s26+$0xF220];
	[tilespmem:s24+$0x7230] =	vst v5;
	v3 =	vadd.f32 v3, v7  }
0x7d: {  	v5 =	vld [tilespmem:s26+$0xF230];
	[tilespmem:s24+$0x7240] =	vst v4;
	v2 =	vadd.f32 v2, v8  }
0x7e: {  	v4 =	vld [tilespmem:s26+$0xF240];
	[tilespmem:s24+$0x7250] =	vst v3;
	v1 =	vadd.f32 v1, v11  }
0x7f: {  	v3 =	vld [tilespmem:s26+$0xF250];
	[tilespmem:s24+$0x7260] =	vst v2  }
0x80: {  	v2 =	vld [tilespmem:s26+$0xF260];
	[tilespmem:s24+$0x7270] =	vst v1;
	s24 =	smov.u32 s26  }
0x81: {  	v1 =	vld [tilespmem:s24+$0xF270]  }
0x82: {  	v7 =	vld [tilespmem:s24+$0x7200]  }
0x83: {  	v8 =	vld [tilespmem:s24+$0x7210]  }
.Ltmp2:
0x84: {  	v11 =	vld [tilespmem:s24+$0x7220];
	(pc) =	sbr.rel @p0 .LBB2_7-.Ltmp2, $4  }
0x85: {  	v10 =	vld [tilespmem:s24+$0x7230]  }
0x86: {  	v9 =	vld [tilespmem:s24+$0x7240]  }
0x87: {  	v13 =	vadd.f32 v13, v7;
	v7 =	vld [tilespmem:s24+$0x7250]  }
0x88: {  	s25 =	sadd.s32 $0x200, s25;
	v12 =	vadd.f32 v12, v8;
	v8 =	vld [tilespmem:s24+$0x7260]  }
0x89: {  	[tilespmem:s24+$0x7200] =	vst v13;
	v6 =	vadd.f32 v6, v11;
	v63 =	vld [tilespmem:s24+$0x7270]  }
0x8a: {  	[tilespmem:s24+$0x7210] =	vst v12;
	v5 =	vadd.f32 v5, v10  }
0x8b: {  	s22 =	sadd.s32 $0x1, s22;
	[tilespmem:s24+$0x7220] =	vst v6;
	v4 =	vadd.f32 v4, v9  }
0x8c: {  	p0 =	sne.s32 s22, $0x19;
	[tilespmem:s24+$0x7230] =	vst v5;
	v3 =	vadd.f32 v3, v7  }
.Ltmp3:
0x8d: {  	s23 =	sshll.u32 s23, $0xE;
	[tilespmem:s24+$0x7240] =	vst v4;
	v2 =	vadd.f32 v2, v8;
	(pc) =	sbr.rel @p0 .LBB2_4-.Ltmp3, $4  }
0x8e: {  	s23 =	sadd.s32 s8, s23;
	[tilespmem:s24+$0x7250] =	vst v3;
	v1 =	vadd.f32 v1, v63  }
0x8f: {  	s23 =	sshrl.u32 s23, $0x3;
	[tilespmem:s24+$0x7260] =	vst v2  }
0x90: {  	s23 =	sadd.s32 s3, s23;
	[tilespmem:s24+$0x7270] =	vst v1  }
0x91: {  	[hbm4b:s23+s4] =	stream.linear.scatter [tilespmem:s15], [sflag:$0x4], $0x4000, $0x38;
	[tilespmem:$0x13200] =	vst v63  }
0x92: {  	s21 =	sadd.s32 $0x1, s21  }
0x93: {  	p0 =	sne.s32 s21, s9  }
.Ltmp4:
0x94: {  	_ = 	snop;
	(pc) =	sbr.rel @p0 .LBB2_1-.Ltmp4, $4  }
0x95: {  	_ = 	snop  }
0x96: {  	_ =	swait.ge [sflag:s20], $0x4000  }
0x97: {  	[sflag:s20] =	ssyncset.done $0x0  }
0x98: {  	[sflag:s20] =	ssyncadd.s32 $0xFFFFC000  }
0x99: {  	_ =	sfence.sel $0x180000  }
0x9a: {  	[bflag:$0x0] =	sbarrier.arrive $0xFFFF  }
0x9b: {  	p0 =	sne.s32 s0, $0x0;
	_ =	strace $0x90000047  }
0x9c: {  	s0 =	sadd.s32 @!p0 $0x100000, s1;
	[bflag:$0x2] =	sbarrier.arrive $0xFFFF  }
0x9d: {  	[sflag:s0] =	ssyncadd.tile.s32 @!p0 $0x1;
	_ =	shalt  }
.Lfunc_end2:
_tile_overlayer_lowered:
.L_overlay_start_2:
0x9e: {  	(tag) =	ssettag $0x2  }
0x9f: {  	s0 =	rddreg [dreg:$0x0];
	s2 =	stileid.u32  }
0xa0: {  	s1 =	rddreg [dreg:$0x1];
	p0 =	sne.s32 s2, $0x0  }
0xa1: {  	s3 =	rddreg [dreg:$0x2];
	[bflag:$0x3] =	sbarrier.arrive $0xFFFF;
	s2 =	simm.s32 @!p0 $0x1C05  }
0xa2: {  	[timem:s3], [sflag:s2] =	dma.local @!p0 [hbm:s0], s1  }
0xa3: {  	s0 =	simm.s32 @!p0 $0x5  }
0xa4: {  	_ =	swait.ge @!p0 [sflag:s0], s1  }
0xa5: {  	s1 =	ssub.s32 @!p0 $0x0, s1;
	[sflag:s0] =	ssyncset.done @!p0 $0x0  }
0xa6: {  	[sflag:s0] =	ssyncadd.s32 @!p0 s1  }
0xa7: {  	[bflag:$0x3] =	sbarrier.arrive $0xFFFF  }
0xa8: {  	_ =	shalt  }

</sc_bundles>
